<compile_context>
chip_gen: v7x
topology: tpu7x:2x2x1
jax: 0.10.2.dev20260603
libtpu: 0.0.44.dev20260713+nightly
codegen_flags: <defaults>
</compile_context>

<pallas_src>
import jax
import jax.numpy as jnp
from jax import lax
from jax.experimental import pallas as pl
from jax.experimental.pallas import tpu as pltpu
from jax.experimental.pallas import tpu_sc as plsc

_N = 8192
_D = 128
_EPS = 0.4
_BI = 512
_BJ = 1024
_BS = 512
_NW = 32
_CHUNK = _N // _NW


def _normalize_body(x_ref, xh_ref, xl_ref):
    x = x_ref[...]
    xn = x / jnp.sqrt(jnp.sum(x * x, axis=1, keepdims=True))
    hi = xn.astype(jnp.bfloat16)
    xh_ref[...] = hi
    xl_ref[...] = (xn - hi.astype(jnp.float32)).astype(jnp.bfloat16)


def _normalize(x):
    return pl.pallas_call(
        _normalize_body,
        out_shape=[jax.ShapeDtypeStruct((_N, _D), jnp.bfloat16),
                   jax.ShapeDtypeStruct((_N, _D), jnp.bfloat16)],
    )(x)


def _bf16_dot(a, b):
    return lax.dot_general(a, b, (((1,), (1,)), ((), ())),
                           preferred_element_type=jnp.float32)


def _build_mask_body(xhi_ref, xli_ref, xhj_ref, xlj_ref, mask_ref, nbr_ref):
    j = pl.program_id(1)
    xhi = xhi_ref[...]
    xli = xli_ref[...]
    xhj = xhj_ref[...]
    xlj = xlj_ref[...]
    s = _bf16_dot(xhi, xhj) + _bf16_dot(xhi, xlj) + _bf16_dot(xli, xhj)
    m = s > _EPS
    mask_ref[...] = m.astype(jnp.int8)
    jidx = lax.broadcasted_iota(jnp.int32, (_BI, _BJ), 1) + j * _BJ
    pmin = jnp.min(jnp.where(m, jidx, _N), axis=1).reshape(1, _BI)

    @pl.when(j == 0)
    def _():
        nbr_ref[0, :, :] = pmin

    @pl.when(j != 0)
    def _():
        nbr_ref[0, :, :] = jnp.minimum(nbr_ref[0, :, :], pmin)


def _build_mask(xh, xl):
    return pl.pallas_call(
        _build_mask_body,
        grid=(_N // _BI, _N // _BJ),
        in_specs=[pl.BlockSpec((_BI, _D), lambda i, j: (i, 0)),
                  pl.BlockSpec((_BI, _D), lambda i, j: (i, 0)),
                  pl.BlockSpec((_BJ, _D), lambda i, j: (j, 0)),
                  pl.BlockSpec((_BJ, _D), lambda i, j: (j, 0))],
        out_specs=[pl.BlockSpec((_BI, _BJ), lambda i, j: (i, j)),
                   pl.BlockSpec((1, 1, _BI), lambda i, j: (i, 0, 0))],
        out_shape=[jax.ShapeDtypeStruct((_N, _N), jnp.int8),
                   jax.ShapeDtypeStruct((_N // _BI, 1, _BI), jnp.int32)],
    )(xh, xl, xh, xl)


def _sweep_body(mask_ref, comp_ref, out_ref):
    m = mask_ref[...].astype(jnp.int32) != 0
    c = jnp.broadcast_to(comp_ref[...], (_BS, _N))
    out_ref[0, :, :] = jnp.min(jnp.where(m, c, _N), axis=1).reshape(1, _BS)


def _sweep(mask, comp):
    out = pl.pallas_call(
        _sweep_body,
        grid=(_N // _BS,),
        in_specs=[pl.BlockSpec((_BS, _N), lambda i: (i, 0)),
                  pl.BlockSpec((1, _N), lambda i: (0, 0))],
        out_specs=pl.BlockSpec((1, 1, _BS), lambda i: (i, 0, 0)),
        out_shape=jax.ShapeDtypeStruct((_N // _BS, 1, _BS), jnp.int32),
    )(mask, comp.reshape(1, _N))
    return out.reshape(_N)


_SC_MESH = plsc.VectorSubcoreMesh(core_axis_name="c", subcore_axis_name="s")


def _jump_body(comp_hbm, out_hbm, comp_v, idx_v, gat_v, out_v, sem):
    wid = lax.axis_index("s") * 2 + lax.axis_index("c")
    base = wid * _CHUNK
    pltpu.sync_copy(comp_hbm.at[pl.ds(base, _CHUNK)], comp_v)
    cap = jnp.full((16,), _N - 1, jnp.int32)

    def clampstep(k, carry):
        idx_v[pl.ds(k * 16, 16)] = jnp.minimum(comp_v[pl.ds(k * 16, 16)], cap)
        return carry

    lax.fori_loop(0, _CHUNK // 16, clampstep, 0)
    cps = [pltpu.async_copy(comp_hbm.at[idx_v.at[pl.ds(j * 128, 128)]],
                            gat_v.at[pl.ds(j * 128, 128)], sem)
           for j in range(_CHUNK // 128)]
    for cp in cps:
        cp.wait()

    def minstep(k, carry):
        out_v[pl.ds(k * 16, 16)] = jnp.minimum(comp_v[pl.ds(k * 16, 16)],
                                               gat_v[pl.ds(k * 16, 16)])
        return carry

    lax.fori_loop(0, _CHUNK // 16, minstep, 0)
    pltpu.sync_copy(out_v, out_hbm.at[pl.ds(base, _CHUNK)])


_jump = pl.kernel(
    _jump_body,
    mesh=_SC_MESH,
    out_type=jax.ShapeDtypeStruct((_N,), jnp.int32),
    scratch_types=[pltpu.VMEM((_CHUNK,), jnp.int32),
                   pltpu.VMEM((_CHUNK,), jnp.int32),
                   pltpu.VMEM((_CHUNK,), jnp.int32),
                   pltpu.VMEM((_CHUNK,), jnp.int32),
                   pltpu.SemaphoreType.DMA],
)


def _rank_body(comp_ref, rank_ref):
    c = comp_ref[...]
    gidx = (lax.broadcasted_iota(jnp.int32, (64, 128), 0) * 128
            + lax.broadcasted_iota(jnp.int32, (64, 128), 1))
    isr = (c == gidx).astype(jnp.float32)
    tri = (lax.broadcasted_iota(jnp.int32, (128, 128), 0)
           <= lax.broadcasted_iota(jnp.int32, (128, 128), 1)
           ).astype(jnp.float32)
    rowcs = lax.dot_general(isr, tri, (((1,), (0,)), ((), ())),
                            preferred_element_type=jnp.float32,
                            precision=lax.Precision.HIGHEST)
    stri = (lax.broadcasted_iota(jnp.int32, (64, 64), 1)
            < lax.broadcasted_iota(jnp.int32, (64, 64), 0)
            ).astype(jnp.float32)
    off = lax.dot_general(stri, rowcs[:, 127:128], (((1,), (0,)), ((), ())),
                          preferred_element_type=jnp.float32,
                          precision=lax.Precision.HIGHEST)
    rank_ref[...] = (rowcs + off - 1.0).astype(jnp.int32)


def _rank(comp):
    out = pl.pallas_call(
        _rank_body,
        out_shape=jax.ShapeDtypeStruct((64, 128), jnp.int32),
    )(comp.reshape(64, 128))
    return out.reshape(_N)


def _label_body(comp_hbm, rank_hbm, nbr_hbm, out_hbm,
                comp_v, nbr_v, idx_v, gat_v, out_v, sem):
    wid = lax.axis_index("s") * 2 + lax.axis_index("c")
    base = wid * _CHUNK
    pltpu.sync_copy(comp_hbm.at[pl.ds(base, _CHUNK)], comp_v)
    pltpu.sync_copy(nbr_hbm.at[pl.ds(base, _CHUNK)], nbr_v)
    cap = jnp.full((16,), _N - 1, jnp.int32)

    def clampstep(k, carry):
        idx_v[pl.ds(k * 16, 16)] = jnp.minimum(comp_v[pl.ds(k * 16, 16)], cap)
        return carry

    lax.fori_loop(0, _CHUNK // 16, clampstep, 0)
    cps = [pltpu.async_copy(rank_hbm.at[idx_v.at[pl.ds(j * 128, 128)]],
                            gat_v.at[pl.ds(j * 128, 128)], sem)
           for j in range(_CHUNK // 128)]
    for cp in cps:
        cp.wait()
    nval = jnp.full((16,), _N, jnp.int32)
    neg1 = jnp.full((16,), -1, jnp.int32)

    def selstep(k, carry):
        nb = nbr_v[pl.ds(k * 16, 16)]
        lbl = gat_v[pl.ds(k * 16, 16)]
        out_v[pl.ds(k * 16, 16)] = jnp.where(nb < nval, lbl, neg1)
        return carry

    lax.fori_loop(0, _CHUNK // 16, selstep, 0)
    pltpu.sync_copy(out_v, out_hbm.at[pl.ds(base, _CHUNK)])


_label = pl.kernel(
    _label_body,
    mesh=_SC_MESH,
    out_type=jax.ShapeDtypeStruct((_N,), jnp.int32),
    scratch_types=[pltpu.VMEM((_CHUNK,), jnp.int32),
                   pltpu.VMEM((_CHUNK,), jnp.int32),
                   pltpu.VMEM((_CHUNK,), jnp.int32),
                   pltpu.VMEM((_CHUNK,), jnp.int32),
                   pltpu.VMEM((_CHUNK,), jnp.int32),
                   pltpu.SemaphoreType.DMA],
)


def kernel(x):
    xh, xl = _normalize(x)
    mask, nbr3 = _build_mask(xh, xl)
    comp1 = nbr3.reshape(_N)
    comp = _jump(comp1)

    def body(st):
        t, comp, _ = st
        c2 = _jump(_sweep(mask, comp))
        return t + 1, c2, jnp.any(c2 != comp)

    def cond(st):
        return st[2] & (st[0] < 16)

    _, comp, _ = lax.while_loop(cond, body,
                                (jnp.int32(1), comp, jnp.bool_(True)))
    rank = _rank(comp)
    return _label(comp, rank, comp1)

# --- scband reference (transcript-rebuilt; emitter-appended) ---
"""Pipeline reference for scband-dbscan-70540542869835 (READ-ONLY COPY).

The authoritative reference and input builder live on the scoring server;
editing this copy changes nothing except your own understanding.
"""

import jax, jax.numpy as jnp
import numpy as np

EPS = 0.4
MIN_SAMPLES = 1
N_FRAMES = 8192
D_FEAT = 128
N_ITERS = 16  # >= log2(N_FRAMES) pointer-jumping iterations, guarantees convergence


def setup_inputs(seed: int = 0) -> dict:
    key = jax.random.key(seed)
    x = jax.random.normal(key, (N_FRAMES, D_FEAT), dtype=jnp.float32)
    return {"x": x}


def reference(x):
    # Faithful DBSCAN (input_type='feature_matrix', min_samples=1).
    # 1) cosine-similarity adjacency matrix (matches _to_adjacency_matrix)
    N = x.shape[0]
    xn = x / jnp.linalg.norm(x, axis=1, keepdims=True)
    S = xn @ xn.T
    # 2) neighbourhood mask (matrix > eps). Diagonal is ~1.0 > eps, so with
    #    min_samples=1 every point is a core sample (same as TF code, where the
    #    self-edge is counted in mask_core_samples).
    mask = S > EPS
    deg = jnp.sum(mask.astype(jnp.int32), axis=1)
    core = deg >= MIN_SAMPLES
    # 3) BFS label expansion in the TF code assigns each connected component of
    #    the (symmetric) threshold graph one label; the first unlabeled core
    #    point encountered in index order is the minimum index of its component,
    #    so label = rank of the component's minimum index. We compute this via
    #    min-index propagation (scatter/gather style) with pointer jumping.
    comp = jnp.arange(N, dtype=jnp.int32)
    for _ in range(N_ITERS):
        # neighbour min (includes self edge, so comp is non-increasing)
        comp = jnp.min(jnp.where(mask, comp[None, :], N), axis=1).astype(jnp.int32)
        # pointer jumping: comp[comp] <= comp since comp[j] <= j
        comp = jnp.minimum(comp, comp[comp])
    # 4) relabel component roots to 0,1,2,... in ascending root-index order
    is_root = comp == jnp.arange(N, dtype=jnp.int32)
    root_rank = jnp.cumsum(is_root.astype(jnp.int32)) - 1
    labels = root_rank[comp]
    # points that are never reached stay -1 (cannot happen with min_samples=1
    # and the self-edge, but kept for faithfulness)
    labels = jnp.where(core, labels, -1)
    return labels.astype(jnp.int32)

if __name__ == "__main__":
    import jax
    _d = setup_inputs()
    print(jax.jit(kernel)(*tuple(_d.values())))

</pallas_src>

<mosaic_0001>
#map = affine_map<(d0, d1) -> (0)>
module attributes {stable_mosaic.version = 14 : i64} {
  func.func @_jump_body(%arg0: i32, %arg1: i32, %arg2: memref<8192xi32, #tpu.memory_space<hbm>>, %arg3: memref<8192xi32, #tpu.memory_space<hbm>>, %arg4: memref<256xi32, #tpu.memory_space<vmem>>, %arg5: memref<256xi32, #tpu.memory_space<vmem>>, %arg6: memref<256xi32, #tpu.memory_space<vmem>>, %arg7: memref<256xi32, #tpu.memory_space<vmem>>, %arg8: memref<!tpu.dma_semaphore, #tpu.memory_space<semaphore_mem>>) attributes {dimension_semantics = [#tpu.dimension_semantics<core_parallel>, #tpu.dimension_semantics<subcore_parallel>], iteration_bounds = array<i64: 2, 16>, scalar_prefetch = 0 : i64, scratch_operands = 5 : i64, tpu.core_type = #tpu.core_type<sc_vector_subcore>, window_params = [{transform_indices = #map}, {transform_indices = #map}]} {
    %mul3A = arith.constant 2 : i32
    %mul3A_0 = arith.muli %arg1, %mul3A : i32
    %add3A = arith.addi %mul3A_0, %arg0 : i32
    %mul3A_1 = arith.constant 256 : i32
    %mul3A_2 = arith.muli %add3A, %mul3A_1 : i32
    "tpu.region"() ({
      %run_scoped3A = tpu.sem_alloc : memref<!tpu.dma_semaphore, #tpu.memory_space<semaphore_mem>>
      %dma_start3A_37 = tpu.memref_slice %arg2[%mul3A_2] : memref<8192xi32, #tpu.memory_space<hbm>> -> memref<256xi32, #tpu.memory_space<hbm>>
      %dma_start3A_38 = tpu.memref_slice %arg2[%mul3A_2] : memref<8192xi32, #tpu.memory_space<hbm>> -> memref<256xi32, #tpu.memory_space<hbm>>
      tpu.enqueue_dma source(%dma_start3A_38 : memref<256xi32, #tpu.memory_space<hbm>>) target(%arg4 : memref<256xi32, #tpu.memory_space<vmem>>) target_semaphore(%run_scoped3A : memref<!tpu.dma_semaphore, #tpu.memory_space<semaphore_mem>>)
      %dma_wait3A_39 = tpu.memref_slice %arg2[%mul3A_2] : memref<8192xi32, #tpu.memory_space<hbm>> -> memref<256xi32, #tpu.memory_space<hbm>>
      %dma_wait3A_40 = tpu.memref_slice %arg2[%mul3A_2] : memref<8192xi32, #tpu.memory_space<hbm>> -> memref<256xi32, #tpu.memory_space<hbm>>
      tpu.wait_dma2 semaphore(%run_scoped3A : memref<!tpu.dma_semaphore, #tpu.memory_space<semaphore_mem>>) src(%dma_wait3A_40 : memref<256xi32, #tpu.memory_space<hbm>>) dst(%arg4 : memref<256xi32, #tpu.memory_space<vmem>>)
      tpu.yield
    }) : () -> ()
    %broadcast_in_dim3A = arith.constant 8191 : i32
    %broadcast_in_dim3A_3 = vector.broadcast %broadcast_in_dim3A : i32 to vector<16xi32>
    %scan3A = arith.constant 0 : i32
    %scan3A_4 = arith.constant 0 : i32
    %scan3A_5 = arith.constant 16 : i32
    %scan3A_6 = arith.addi %scan3A_4, %scan3A_5 : i32
    %scan3A_7 = arith.constant 1 : i32
    scf.for %scan3A_37 = %scan3A_4 to %scan3A_6 step %scan3A_7  : i32 {
      %mul3A_38 = arith.constant 16 : i32
      %mul3A_39 = arith.muli %scan3A_37, %mul3A_38 : i32
      %get3A = arith.index_cast %mul3A_39 : i32 to index
      %get3A_40 = tpu.vector_load %arg4[%get3A] {strides = array<i32>} : memref<256xi32, #tpu.memory_space<vmem>>, vector<16xi32>,
      %get3A_41 = vector.shape_cast %get3A_40 : vector<16xi32> to vector<16xi32>
      %min3A = arith.minsi %get3A_41, %broadcast_in_dim3A_3 : vector<16xi32>
      %mul3A_42 = arith.constant 16 : i32
      %mul3A_43 = arith.muli %scan3A_37, %mul3A_42 : i32
      %swap3A = arith.index_cast %mul3A_43 : i32 to index
      %swap3A_44 = tpu.vector_load %arg5[%swap3A] {strides = array<i32>} : memref<256xi32, #tpu.memory_space<vmem>>, vector<16xi32>,
      %swap3A_45 = vector.shape_cast %swap3A_44 : vector<16xi32> to vector<16xi32>
      %swap3A_46 = vector.shape_cast %min3A : vector<16xi32> to vector<16xi32>
      tpu.vector_store %arg5[%swap3A], %swap3A_46 {strides = array<i32>} : memref<256xi32, #tpu.memory_space<vmem>>, vector<16xi32>,
    }
    %scan3A_8 = arith.constant 16 : i32
    %dma_start3A = arith.constant 0 : i32
    %dma_start3A_9 = tpu.memref_slice %arg6[%dma_start3A] : memref<256xi32, #tpu.memory_space<vmem>> -> memref<128xi32, #tpu.memory_space<vmem>>
    %dma_start3A_10 = arith.constant 0 : i32
    %dma_start3A_11 = tpu.memref_slice %arg5[%dma_start3A_10] : memref<256xi32, #tpu.memory_space<vmem>> -> memref<128xi32, #tpu.memory_space<vmem>>
    %dma_start3A_12 = arith.constant 0 : i32
    %dma_start3A_13 = tpu.memref_slice %arg2[%dma_start3A_12] : memref<8192xi32, #tpu.memory_space<hbm>> -> memref<8192xi32, #tpu.memory_space<hbm>>
    tpu.enqueue_indirect_dma source(%dma_start3A_13 : memref<8192xi32, #tpu.memory_space<hbm>>) target(%dma_start3A_9 : memref<128xi32, #tpu.memory_space<vmem>>) offsets(%dma_start3A_11 : memref<128xi32, #tpu.memory_space<vmem>>) semaphore(%arg8 : memref<!tpu.dma_semaphore, #tpu.memory_space<semaphore_mem>>)
    %dma_start3A_14 = arith.constant 128 : i32
    %dma_start3A_15 = tpu.memref_slice %arg6[%dma_start3A_14] : memref<256xi32, #tpu.memory_space<vmem>> -> memref<128xi32, #tpu.memory_space<vmem>>
    %dma_start3A_16 = arith.constant 128 : i32
    %dma_start3A_17 = tpu.memref_slice %arg5[%dma_start3A_16] : memref<256xi32, #tpu.memory_space<vmem>> -> memref<128xi32, #tpu.memory_space<vmem>>
    %dma_start3A_18 = arith.constant 0 : i32
    %dma_start3A_19 = tpu.memref_slice %arg2[%dma_start3A_18] : memref<8192xi32, #tpu.memory_space<hbm>> -> memref<8192xi32, #tpu.memory_space<hbm>>
    tpu.enqueue_indirect_dma source(%dma_start3A_19 : memref<8192xi32, #tpu.memory_space<hbm>>) target(%dma_start3A_15 : memref<128xi32, #tpu.memory_space<vmem>>) offsets(%dma_start3A_17 : memref<128xi32, #tpu.memory_space<vmem>>) semaphore(%arg8 : memref<!tpu.dma_semaphore, #tpu.memory_space<semaphore_mem>>)
    %dma_wait3A = arith.constant 0 : i32
    %dma_wait3A_20 = tpu.memref_slice %arg6[%dma_wait3A] : memref<256xi32, #tpu.memory_space<vmem>> -> memref<128xi32, #tpu.memory_space<vmem>>
    %dma_wait3A_21 = arith.constant 0 : i32
    %dma_wait3A_22 = tpu.memref_slice %arg5[%dma_wait3A_21] : memref<256xi32, #tpu.memory_space<vmem>> -> memref<128xi32, #tpu.memory_space<vmem>>
    %dma_wait3A_23 = arith.constant 0 : i32
    %dma_wait3A_24 = tpu.memref_slice %arg2[%dma_wait3A_23] : memref<8192xi32, #tpu.memory_space<hbm>> -> memref<8192xi32, #tpu.memory_space<hbm>>
    tpu.wait_indirect_dma semaphore(%arg8 : memref<!tpu.dma_semaphore, #tpu.memory_space<semaphore_mem>>) src(%dma_wait3A_24 : memref<8192xi32, #tpu.memory_space<hbm>>) dst(%dma_wait3A_20 : memref<128xi32, #tpu.memory_space<vmem>>)
    %dma_wait3A_25 = arith.constant 128 : i32
    %dma_wait3A_26 = tpu.memref_slice %arg6[%dma_wait3A_25] : memref<256xi32, #tpu.memory_space<vmem>> -> memref<128xi32, #tpu.memory_space<vmem>>
    %dma_wait3A_27 = arith.constant 128 : i32
    %dma_wait3A_28 = tpu.memref_slice %arg5[%dma_wait3A_27] : memref<256xi32, #tpu.memory_space<vmem>> -> memref<128xi32, #tpu.memory_space<vmem>>
    %dma_wait3A_29 = arith.constant 0 : i32
    %dma_wait3A_30 = tpu.memref_slice %arg2[%dma_wait3A_29] : memref<8192xi32, #tpu.memory_space<hbm>> -> memref<8192xi32, #tpu.memory_space<hbm>>
    tpu.wait_indirect_dma semaphore(%arg8 : memref<!tpu.dma_semaphore, #tpu.memory_space<semaphore_mem>>) src(%dma_wait3A_30 : memref<8192xi32, #tpu.memory_space<hbm>>) dst(%dma_wait3A_26 : memref<128xi32, #tpu.memory_space<vmem>>)
    %scan3A_31 = arith.constant 0 : i32
    %scan3A_32 = arith.constant 0 : i32
    %scan3A_33 = arith.constant 16 : i32
    %scan3A_34 = arith.addi %scan3A_32, %scan3A_33 : i32
    %scan3A_35 = arith.constant 1 : i32
    scf.for %scan3A_37 = %scan3A_32 to %scan3A_34 step %scan3A_35  : i32 {
      %mul3A_38 = arith.constant 16 : i32
      %mul3A_39 = arith.muli %scan3A_37, %mul3A_38 : i32
      %get3A = arith.index_cast %mul3A_39 : i32 to index
      %get3A_40 = tpu.vector_load %arg4[%get3A] {strides = array<i32>} : memref<256xi32, #tpu.memory_space<vmem>>, vector<16xi32>,
      %get3A_41 = vector.shape_cast %get3A_40 : vector<16xi32> to vector<16xi32>
      %mul3A_42 = arith.constant 16 : i32
      %mul3A_43 = arith.muli %scan3A_37, %mul3A_42 : i32
      %get3A_44 = arith.index_cast %mul3A_43 : i32 to index
      %get3A_45 = tpu.vector_load %arg6[%get3A_44] {strides = array<i32>} : memref<256xi32, #tpu.memory_space<vmem>>, vector<16xi32>,
      %get3A_46 = vector.shape_cast %get3A_45 : vector<16xi32> to vector<16xi32>
      %min3A = arith.minsi %get3A_41, %get3A_46 : vector<16xi32>
      %mul3A_47 = arith.constant 16 : i32
      %mul3A_48 = arith.muli %scan3A_37, %mul3A_47 : i32
      %swap3A = arith.index_cast %mul3A_48 : i32 to index
      %swap3A_49 = tpu.vector_load %arg7[%swap3A] {strides = array<i32>} : memref<256xi32, #tpu.memory_space<vmem>>, vector<16xi32>,
      %swap3A_50 = vector.shape_cast %swap3A_49 : vector<16xi32> to vector<16xi32>
      %swap3A_51 = vector.shape_cast %min3A : vector<16xi32> to vector<16xi32>
      tpu.vector_store %arg7[%swap3A], %swap3A_51 {strides = array<i32>} : memref<256xi32, #tpu.memory_space<vmem>>, vector<16xi32>,
    }
    %scan3A_36 = arith.constant 16 : i32
    "tpu.region"() ({
      %run_scoped3A = tpu.sem_alloc : memref<!tpu.dma_semaphore, #tpu.memory_space<semaphore_mem>>
      %dma_start3A_37 = tpu.memref_slice %arg3[%mul3A_2] : memref<8192xi32, #tpu.memory_space<hbm>> -> memref<256xi32, #tpu.memory_space<hbm>>
      %dma_start3A_38 = tpu.memref_slice %arg3[%mul3A_2] : memref<8192xi32, #tpu.memory_space<hbm>> -> memref<256xi32, #tpu.memory_space<hbm>>
      tpu.enqueue_dma source(%arg7 : memref<256xi32, #tpu.memory_space<vmem>>) target(%dma_start3A_38 : memref<256xi32, #tpu.memory_space<hbm>>) target_semaphore(%run_scoped3A : memref<!tpu.dma_semaphore, #tpu.memory_space<semaphore_mem>>)
      %dma_wait3A_39 = tpu.memref_slice %arg3[%mul3A_2] : memref<8192xi32, #tpu.memory_space<hbm>> -> memref<256xi32, #tpu.memory_space<hbm>>
      %dma_wait3A_40 = tpu.memref_slice %arg3[%mul3A_2] : memref<8192xi32, #tpu.memory_space<hbm>> -> memref<256xi32, #tpu.memory_space<hbm>>
      tpu.wait_dma2 semaphore(%run_scoped3A : memref<!tpu.dma_semaphore, #tpu.memory_space<semaphore_mem>>) src(%arg7 : memref<256xi32, #tpu.memory_space<vmem>>) dst(%dma_wait3A_40 : memref<256xi32, #tpu.memory_space<hbm>>)
      tpu.yield
    }) : () -> ()
    return
  }
}

#map = affine_map<(d0, d1) -> (0)>
module attributes {stable_mosaic.version = 14 : i64} {
  func.func @_label_body(%arg0: i32, %arg1: i32, %arg2: memref<8192xi32, #tpu.memory_space<hbm>>, %arg3: memref<8192xi32, #tpu.memory_space<hbm>>, %arg4: memref<8192xi32, #tpu.memory_space<hbm>>, %arg5: memref<8192xi32, #tpu.memory_space<hbm>>, %arg6: memref<256xi32, #tpu.memory_space<vmem>>, %arg7: memref<256xi32, #tpu.memory_space<vmem>>, %arg8: memref<256xi32, #tpu.memory_space<vmem>>, %arg9: memref<256xi32, #tpu.memory_space<vmem>>, %arg10: memref<256xi32, #tpu.memory_space<vmem>>, %arg11: memref<!tpu.dma_semaphore, #tpu.memory_space<semaphore_mem>>) attributes {dimension_semantics = [#tpu.dimension_semantics<core_parallel>, #tpu.dimension_semantics<subcore_parallel>], iteration_bounds = array<i64: 2, 16>, scalar_prefetch = 0 : i64, scratch_operands = 6 : i64, tpu.core_type = #tpu.core_type<sc_vector_subcore>, window_params = [{transform_indices = #map}, {transform_indices = #map}, {transform_indices = #map}, {transform_indices = #map}]} {
    %mul3A = arith.constant 2 : i32
    %mul3A_0 = arith.muli %arg1, %mul3A : i32
    %add3A = arith.addi %mul3A_0, %arg0 : i32
    %mul3A_1 = arith.constant 256 : i32
    %mul3A_2 = arith.muli %add3A, %mul3A_1 : i32
    "tpu.region"() ({
      %run_scoped3A = tpu.sem_alloc : memref<!tpu.dma_semaphore, #tpu.memory_space<semaphore_mem>>
      %dma_start3A_41 = tpu.memref_slice %arg2[%mul3A_2] : memref<8192xi32, #tpu.memory_space<hbm>> -> memref<256xi32, #tpu.memory_space<hbm>>
      %dma_start3A_42 = tpu.memref_slice %arg2[%mul3A_2] : memref<8192xi32, #tpu.memory_space<hbm>> -> memref<256xi32, #tpu.memory_space<hbm>>
      tpu.enqueue_dma source(%dma_start3A_42 : memref<256xi32, #tpu.memory_space<hbm>>) target(%arg6 : memref<256xi32, #tpu.memory_space<vmem>>) target_semaphore(%run_scoped3A : memref<!tpu.dma_semaphore, #tpu.memory_space<semaphore_mem>>)
      %dma_wait3A_43 = tpu.memref_slice %arg2[%mul3A_2] : memref<8192xi32, #tpu.memory_space<hbm>> -> memref<256xi32, #tpu.memory_space<hbm>>
      %dma_wait3A_44 = tpu.memref_slice %arg2[%mul3A_2] : memref<8192xi32, #tpu.memory_space<hbm>> -> memref<256xi32, #tpu.memory_space<hbm>>
      tpu.wait_dma2 semaphore(%run_scoped3A : memref<!tpu.dma_semaphore, #tpu.memory_space<semaphore_mem>>) src(%dma_wait3A_44 : memref<256xi32, #tpu.memory_space<hbm>>) dst(%arg6 : memref<256xi32, #tpu.memory_space<vmem>>)
      tpu.yield
    }) : () -> ()
    "tpu.region"() ({
      %run_scoped3A = tpu.sem_alloc : memref<!tpu.dma_semaphore, #tpu.memory_space<semaphore_mem>>
      %dma_start3A_41 = tpu.memref_slice %arg4[%mul3A_2] : memref<8192xi32, #tpu.memory_space<hbm>> -> memref<256xi32, #tpu.memory_space<hbm>>
      %dma_start3A_42 = tpu.memref_slice %arg4[%mul3A_2] : memref<8192xi32, #tpu.memory_space<hbm>> -> memref<256xi32, #tpu.memory_space<hbm>>
      tpu.enqueue_dma source(%dma_start3A_42 : memref<256xi32, #tpu.memory_space<hbm>>) target(%arg7 : memref<256xi32, #tpu.memory_space<vmem>>) target_semaphore(%run_scoped3A : memref<!tpu.dma_semaphore, #tpu.memory_space<semaphore_mem>>)
      %dma_wait3A_43 = tpu.memref_slice %arg4[%mul3A_2] : memref<8192xi32, #tpu.memory_space<hbm>> -> memref<256xi32, #tpu.memory_space<hbm>>
      %dma_wait3A_44 = tpu.memref_slice %arg4[%mul3A_2] : memref<8192xi32, #tpu.memory_space<hbm>> -> memref<256xi32, #tpu.memory_space<hbm>>
      tpu.wait_dma2 semaphore(%run_scoped3A : memref<!tpu.dma_semaphore, #tpu.memory_space<semaphore_mem>>) src(%dma_wait3A_44 : memref<256xi32, #tpu.memory_space<hbm>>) dst(%arg7 : memref<256xi32, #tpu.memory_space<vmem>>)
      tpu.yield
    }) : () -> ()
    %broadcast_in_dim3A = arith.constant 8191 : i32
    %broadcast_in_dim3A_3 = vector.broadcast %broadcast_in_dim3A : i32 to vector<16xi32>
    %scan3A = arith.constant 0 : i32
    %scan3A_4 = arith.constant 0 : i32
    %scan3A_5 = arith.constant 16 : i32
    %scan3A_6 = arith.addi %scan3A_4, %scan3A_5 : i32
    %scan3A_7 = arith.constant 1 : i32
    scf.for %scan3A_41 = %scan3A_4 to %scan3A_6 step %scan3A_7  : i32 {
      %mul3A_42 = arith.constant 16 : i32
      %mul3A_43 = arith.muli %scan3A_41, %mul3A_42 : i32
      %get3A = arith.index_cast %mul3A_43 : i32 to index
      %get3A_44 = tpu.vector_load %arg6[%get3A] {strides = array<i32>} : memref<256xi32, #tpu.memory_space<vmem>>, vector<16xi32>,
      %get3A_45 = vector.shape_cast %get3A_44 : vector<16xi32> to vector<16xi32>
      %min3A = arith.minsi %get3A_45, %broadcast_in_dim3A_3 : vector<16xi32>
      %mul3A_46 = arith.constant 16 : i32
      %mul3A_47 = arith.muli %scan3A_41, %mul3A_46 : i32
      %swap3A = arith.index_cast %mul3A_47 : i32 to index
      %swap3A_48 = tpu.vector_load %arg8[%swap3A] {strides = array<i32>} : memref<256xi32, #tpu.memory_space<vmem>>, vector<16xi32>,
      %swap3A_49 = vector.shape_cast %swap3A_48 : vector<16xi32> to vector<16xi32>
      %swap3A_50 = vector.shape_cast %min3A : vector<16xi32> to vector<16xi32>
      tpu.vector_store %arg8[%swap3A], %swap3A_50 {strides = array<i32>} : memref<256xi32, #tpu.memory_space<vmem>>, vector<16xi32>,
    }
    %scan3A_8 = arith.constant 16 : i32
    %dma_start3A = arith.constant 0 : i32
    %dma_start3A_9 = tpu.memref_slice %arg9[%dma_start3A] : memref<256xi32, #tpu.memory_space<vmem>> -> memref<128xi32, #tpu.memory_space<vmem>>
    %dma_start3A_10 = arith.constant 0 : i32
    %dma_start3A_11 = tpu.memref_slice %arg8[%dma_start3A_10] : memref<256xi32, #tpu.memory_space<vmem>> -> memref<128xi32, #tpu.memory_space<vmem>>
    %dma_start3A_12 = arith.constant 0 : i32
    %dma_start3A_13 = tpu.memref_slice %arg3[%dma_start3A_12] : memref<8192xi32, #tpu.memory_space<hbm>> -> memref<8192xi32, #tpu.memory_space<hbm>>
    tpu.enqueue_indirect_dma source(%dma_start3A_13 : memref<8192xi32, #tpu.memory_space<hbm>>) target(%dma_start3A_9 : memref<128xi32, #tpu.memory_space<vmem>>) offsets(%dma_start3A_11 : memref<128xi32, #tpu.memory_space<vmem>>) semaphore(%arg11 : memref<!tpu.dma_semaphore, #tpu.memory_space<semaphore_mem>>)
    %dma_start3A_14 = arith.constant 128 : i32
    %dma_start3A_15 = tpu.memref_slice %arg9[%dma_start3A_14] : memref<256xi32, #tpu.memory_space<vmem>> -> memref<128xi32, #tpu.memory_space<vmem>>
    %dma_start3A_16 = arith.constant 128 : i32
    %dma_start3A_17 = tpu.memref_slice %arg8[%dma_start3A_16] : memref<256xi32, #tpu.memory_space<vmem>> -> memref<128xi32, #tpu.memory_space<vmem>>
    %dma_start3A_18 = arith.constant 0 : i32
    %dma_start3A_19 = tpu.memref_slice %arg3[%dma_start3A_18] : memref<8192xi32, #tpu.memory_space<hbm>> -> memref<8192xi32, #tpu.memory_space<hbm>>
    tpu.enqueue_indirect_dma source(%dma_start3A_19 : memref<8192xi32, #tpu.memory_space<hbm>>) target(%dma_start3A_15 : memref<128xi32, #tpu.memory_space<vmem>>) offsets(%dma_start3A_17 : memref<128xi32, #tpu.memory_space<vmem>>) semaphore(%arg11 : memref<!tpu.dma_semaphore, #tpu.memory_space<semaphore_mem>>)
    %dma_wait3A = arith.constant 0 : i32
    %dma_wait3A_20 = tpu.memref_slice %arg9[%dma_wait3A] : memref<256xi32, #tpu.memory_space<vmem>> -> memref<128xi32, #tpu.memory_space<vmem>>
    %dma_wait3A_21 = arith.constant 0 : i32
    %dma_wait3A_22 = tpu.memref_slice %arg8[%dma_wait3A_21] : memref<256xi32, #tpu.memory_space<vmem>> -> memref<128xi32, #tpu.memory_space<vmem>>
    %dma_wait3A_23 = arith.constant 0 : i32
    %dma_wait3A_24 = tpu.memref_slice %arg3[%dma_wait3A_23] : memref<8192xi32, #tpu.memory_space<hbm>> -> memref<8192xi32, #tpu.memory_space<hbm>>
    tpu.wait_indirect_dma semaphore(%arg11 : memref<!tpu.dma_semaphore, #tpu.memory_space<semaphore_mem>>) src(%dma_wait3A_24 : memref<8192xi32, #tpu.memory_space<hbm>>) dst(%dma_wait3A_20 : memref<128xi32, #tpu.memory_space<vmem>>)
    %dma_wait3A_25 = arith.constant 128 : i32
    %dma_wait3A_26 = tpu.memref_slice %arg9[%dma_wait3A_25] : memref<256xi32, #tpu.memory_space<vmem>> -> memref<128xi32, #tpu.memory_space<vmem>>
    %dma_wait3A_27 = arith.constant 128 : i32
    %dma_wait3A_28 = tpu.memref_slice %arg8[%dma_wait3A_27] : memref<256xi32, #tpu.memory_space<vmem>> -> memref<128xi32, #tpu.memory_space<vmem>>
    %dma_wait3A_29 = arith.constant 0 : i32
    %dma_wait3A_30 = tpu.memref_slice %arg3[%dma_wait3A_29] : memref<8192xi32, #tpu.memory_space<hbm>> -> memref<8192xi32, #tpu.memory_space<hbm>>
    tpu.wait_indirect_dma semaphore(%arg11 : memref<!tpu.dma_semaphore, #tpu.memory_space<semaphore_mem>>) src(%dma_wait3A_30 : memref<8192xi32, #tpu.memory_space<hbm>>) dst(%dma_wait3A_26 : memref<128xi32, #tpu.memory_space<vmem>>)
    %broadcast_in_dim3A_31 = arith.constant 8192 : i32
    %broadcast_in_dim3A_32 = vector.broadcast %broadcast_in_dim3A_31 : i32 to vector<16xi32>
    %broadcast_in_dim3A_33 = arith.constant -1 : i32
    %broadcast_in_dim3A_34 = vector.broadcast %broadcast_in_dim3A_33 : i32 to vector<16xi32>
    %scan3A_35 = arith.constant 0 : i32
    %scan3A_36 = arith.constant 0 : i32
    %scan3A_37 = arith.constant 16 : i32
    %scan3A_38 = arith.addi %scan3A_36, %scan3A_37 : i32
    %scan3A_39 = arith.constant 1 : i32
    scf.for %scan3A_41 = %scan3A_36 to %scan3A_38 step %scan3A_39  : i32 {
      %mul3A_42 = arith.constant 16 : i32
      %mul3A_43 = arith.muli %scan3A_41, %mul3A_42 : i32
      %get3A = arith.index_cast %mul3A_43 : i32 to index
      %get3A_44 = tpu.vector_load %arg7[%get3A] {strides = array<i32>} : memref<256xi32, #tpu.memory_space<vmem>>, vector<16xi32>,
      %get3A_45 = vector.shape_cast %get3A_44 : vector<16xi32> to vector<16xi32>
      %mul3A_46 = arith.constant 16 : i32
      %mul3A_47 = arith.muli %scan3A_41, %mul3A_46 : i32
      %get3A_48 = arith.index_cast %mul3A_47 : i32 to index
      %get3A_49 = tpu.vector_load %arg9[%get3A_48] {strides = array<i32>} : memref<256xi32, #tpu.memory_space<vmem>>, vector<16xi32>,
      %get3A_50 = vector.shape_cast %get3A_49 : vector<16xi32> to vector<16xi32>
      %lt3A = arith.cmpi slt, %get3A_45, %broadcast_in_dim3A_32 : vector<16xi32>
      %select_n3A = arith.select %lt3A, %get3A_50, %broadcast_in_dim3A_34 : vector<16xi1>, vector<16xi32>
      %mul3A_51 = arith.constant 16 : i32
      %mul3A_52 = arith.muli %scan3A_41, %mul3A_51 : i32
      %swap3A = arith.index_cast %mul3A_52 : i32 to index
      %swap3A_53 = tpu.vector_load %arg10[%swap3A] {strides = array<i32>} : memref<256xi32, #tpu.memory_space<vmem>>, vector<16xi32>,
      %swap3A_54 = vector.shape_cast %swap3A_53 : vector<16xi32> to vector<16xi32>
      %swap3A_55 = vector.shape_cast %select_n3A : vector<16xi32> to vector<16xi32>
      tpu.vector_store %arg10[%swap3A], %swap3A_55 {strides = array<i32>} : memref<256xi32, #tpu.memory_space<vmem>>, vector<16xi32>,
    }
    %scan3A_40 = arith.constant 16 : i32
    "tpu.region"() ({
      %run_scoped3A = tpu.sem_alloc : memref<!tpu.dma_semaphore, #tpu.memory_space<semaphore_mem>>
      %dma_start3A_41 = tpu.memref_slice %arg5[%mul3A_2] : memref<8192xi32, #tpu.memory_space<hbm>> -> memref<256xi32, #tpu.memory_space<hbm>>
      %dma_start3A_42 = tpu.memref_slice %arg5[%mul3A_2] : memref<8192xi32, #tpu.memory_space<hbm>> -> memref<256xi32, #tpu.memory_space<hbm>>
      tpu.enqueue_dma source(%arg10 : memref<256xi32, #tpu.memory_space<vmem>>) target(%dma_start3A_42 : memref<256xi32, #tpu.memory_space<hbm>>) target_semaphore(%run_scoped3A : memref<!tpu.dma_semaphore, #tpu.memory_space<semaphore_mem>>)
      %dma_wait3A_43 = tpu.memref_slice %arg5[%mul3A_2] : memref<8192xi32, #tpu.memory_space<hbm>> -> memref<256xi32, #tpu.memory_space<hbm>>
      %dma_wait3A_44 = tpu.memref_slice %arg5[%mul3A_2] : memref<8192xi32, #tpu.memory_space<hbm>> -> memref<256xi32, #tpu.memory_space<hbm>>
      tpu.wait_dma2 semaphore(%run_scoped3A : memref<!tpu.dma_semaphore, #tpu.memory_space<semaphore_mem>>) src(%arg10 : memref<256xi32, #tpu.memory_space<vmem>>) dst(%dma_wait3A_44 : memref<256xi32, #tpu.memory_space<hbm>>)
      tpu.yield
    }) : () -> ()
    return
  }
}

#map = affine_map<(d0, d1) -> (0)>
module attributes {stable_mosaic.version = 14 : i64} {
  func.func @_jump_body(%arg0: i32, %arg1: i32, %arg2: memref<8192xi32, #tpu.memory_space<hbm>>, %arg3: memref<8192xi32, #tpu.memory_space<hbm>>, %arg4: memref<256xi32, #tpu.memory_space<vmem>>, %arg5: memref<256xi32, #tpu.memory_space<vmem>>, %arg6: memref<256xi32, #tpu.memory_space<vmem>>, %arg7: memref<256xi32, #tpu.memory_space<vmem>>, %arg8: memref<!tpu.dma_semaphore, #tpu.memory_space<semaphore_mem>>) attributes {dimension_semantics = [#tpu.dimension_semantics<core_parallel>, #tpu.dimension_semantics<subcore_parallel>], iteration_bounds = array<i64: 2, 16>, scalar_prefetch = 0 : i64, scratch_operands = 5 : i64, tpu.core_type = #tpu.core_type<sc_vector_subcore>, window_params = [{transform_indices = #map}, {transform_indices = #map}]} {
    %mul3A = arith.constant 2 : i32
    %mul3A_0 = arith.muli %arg1, %mul3A : i32
    %add3A = arith.addi %mul3A_0, %arg0 : i32
    %mul3A_1 = arith.constant 256 : i32
    %mul3A_2 = arith.muli %add3A, %mul3A_1 : i32
    "tpu.region"() ({
      %run_scoped3A = tpu.sem_alloc : memref<!tpu.dma_semaphore, #tpu.memory_space<semaphore_mem>>
      %dma_start3A_37 = tpu.memref_slice %arg2[%mul3A_2] : memref<8192xi32, #tpu.memory_space<hbm>> -> memref<256xi32, #tpu.memory_space<hbm>>
      %dma_start3A_38 = tpu.memref_slice %arg2[%mul3A_2] : memref<8192xi32, #tpu.memory_space<hbm>> -> memref<256xi32, #tpu.memory_space<hbm>>
      tpu.enqueue_dma source(%dma_start3A_38 : memref<256xi32, #tpu.memory_space<hbm>>) target(%arg4 : memref<256xi32, #tpu.memory_space<vmem>>) target_semaphore(%run_scoped3A : memref<!tpu.dma_semaphore, #tpu.memory_space<semaphore_mem>>)
      %dma_wait3A_39 = tpu.memref_slice %arg2[%mul3A_2] : memref<8192xi32, #tpu.memory_space<hbm>> -> memref<256xi32, #tpu.memory_space<hbm>>
      %dma_wait3A_40 = tpu.memref_slice %arg2[%mul3A_2] : memref<8192xi32, #tpu.memory_space<hbm>> -> memref<256xi32, #tpu.memory_space<hbm>>
      tpu.wait_dma2 semaphore(%run_scoped3A : memref<!tpu.dma_semaphore, #tpu.memory_space<semaphore_mem>>) src(%dma_wait3A_40 : memref<256xi32, #tpu.memory_space<hbm>>) dst(%arg4 : memref<256xi32, #tpu.memory_space<vmem>>)
      tpu.yield
    }) : () -> ()
    %broadcast_in_dim3A = arith.constant 8191 : i32
    %broadcast_in_dim3A_3 = vector.broadcast %broadcast_in_dim3A : i32 to vector<16xi32>
    %scan3A = arith.constant 0 : i32
    %scan3A_4 = arith.constant 0 : i32
    %scan3A_5 = arith.constant 16 : i32
    %scan3A_6 = arith.addi %scan3A_4, %scan3A_5 : i32
    %scan3A_7 = arith.constant 1 : i32
    scf.for %scan3A_37 = %scan3A_4 to %scan3A_6 step %scan3A_7  : i32 {
      %mul3A_38 = arith.constant 16 : i32
      %mul3A_39 = arith.muli %scan3A_37, %mul3A_38 : i32
      %get3A = arith.index_cast %mul3A_39 : i32 to index
      %get3A_40 = tpu.vector_load %arg4[%get3A] {strides = array<i32>} : memref<256xi32, #tpu.memory_space<vmem>>, vector<16xi32>,
      %get3A_41 = vector.shape_cast %get3A_40 : vector<16xi32> to vector<16xi32>
      %min3A = arith.minsi %get3A_41, %broadcast_in_dim3A_3 : vector<16xi32>
      %mul3A_42 = arith.constant 16 : i32
      %mul3A_43 = arith.muli %scan3A_37, %mul3A_42 : i32
      %swap3A = arith.index_cast %mul3A_43 : i32 to index
      %swap3A_44 = tpu.vector_load %arg5[%swap3A] {strides = array<i32>} : memref<256xi32, #tpu.memory_space<vmem>>, vector<16xi32>,
      %swap3A_45 = vector.shape_cast %swap3A_44 : vector<16xi32> to vector<16xi32>
      %swap3A_46 = vector.shape_cast %min3A : vector<16xi32> to vector<16xi32>
      tpu.vector_store %arg5[%swap3A], %swap3A_46 {strides = array<i32>} : memref<256xi32, #tpu.memory_space<vmem>>, vector<16xi32>,
    }
    %scan3A_8 = arith.constant 16 : i32
    %dma_start3A = arith.constant 0 : i32
    %dma_start3A_9 = tpu.memref_slice %arg6[%dma_start3A] : memref<256xi32, #tpu.memory_space<vmem>> -> memref<128xi32, #tpu.memory_space<vmem>>
    %dma_start3A_10 = arith.constant 0 : i32
    %dma_start3A_11 = tpu.memref_slice %arg5[%dma_start3A_10] : memref<256xi32, #tpu.memory_space<vmem>> -> memref<128xi32, #tpu.memory_space<vmem>>
    %dma_start3A_12 = arith.constant 0 : i32
    %dma_start3A_13 = tpu.memref_slice %arg2[%dma_start3A_12] : memref<8192xi32, #tpu.memory_space<hbm>> -> memref<8192xi32, #tpu.memory_space<hbm>>
    tpu.enqueue_indirect_dma source(%dma_start3A_13 : memref<8192xi32, #tpu.memory_space<hbm>>) target(%dma_start3A_9 : memref<128xi32, #tpu.memory_space<vmem>>) offsets(%dma_start3A_11 : memref<128xi32, #tpu.memory_space<vmem>>) semaphore(%arg8 : memref<!tpu.dma_semaphore, #tpu.memory_space<semaphore_mem>>)
    %dma_start3A_14 = arith.constant 128 : i32
    %dma_start3A_15 = tpu.memref_slice %arg6[%dma_start3A_14] : memref<256xi32, #tpu.memory_space<vmem>> -> memref<128xi32, #tpu.memory_space<vmem>>
    %dma_start3A_16 = arith.constant 128 : i32
    %dma_start3A_17 = tpu.memref_slice %arg5[%dma_start3A_16] : memref<256xi32, #tpu.memory_space<vmem>> -> memref<128xi32, #tpu.memory_space<vmem>>
    %dma_start3A_18 = arith.constant 0 : i32
    %dma_start3A_19 = tpu.memref_slice %arg2[%dma_start3A_18] : memref<8192xi32, #tpu.memory_space<hbm>> -> memref<8192xi32, #tpu.memory_space<hbm>>
    tpu.enqueue_indirect_dma source(%dma_start3A_19 : memref<8192xi32, #tpu.memory_space<hbm>>) target(%dma_start3A_15 : memref<128xi32, #tpu.memory_space<vmem>>) offsets(%dma_start3A_17 : memref<128xi32, #tpu.memory_space<vmem>>) semaphore(%arg8 : memref<!tpu.dma_semaphore, #tpu.memory_space<semaphore_mem>>)
    %dma_wait3A = arith.constant 0 : i32
    %dma_wait3A_20 = tpu.memref_slice %arg6[%dma_wait3A] : memref<256xi32, #tpu.memory_space<vmem>> -> memref<128xi32, #tpu.memory_space<vmem>>
    %dma_wait3A_21 = arith.constant 0 : i32
    %dma_wait3A_22 = tpu.memref_slice %arg5[%dma_wait3A_21] : memref<256xi32, #tpu.memory_space<vmem>> -> memref<128xi32, #tpu.memory_space<vmem>>
    %dma_wait3A_23 = arith.constant 0 : i32
    %dma_wait3A_24 = tpu.memref_slice %arg2[%dma_wait3A_23] : memref<8192xi32, #tpu.memory_space<hbm>> -> memref<8192xi32, #tpu.memory_space<hbm>>
    tpu.wait_indirect_dma semaphore(%arg8 : memref<!tpu.dma_semaphore, #tpu.memory_space<semaphore_mem>>) src(%dma_wait3A_24 : memref<8192xi32, #tpu.memory_space<hbm>>) dst(%dma_wait3A_20 : memref<128xi32, #tpu.memory_space<vmem>>)
    %dma_wait3A_25 = arith.constant 128 : i32
    %dma_wait3A_26 = tpu.memref_slice %arg6[%dma_wait3A_25] : memref<256xi32, #tpu.memory_space<vmem>> -> memref<128xi32, #tpu.memory_space<vmem>>
    %dma_wait3A_27 = arith.constant 128 : i32
    %dma_wait3A_28 = tpu.memref_slice %arg5[%dma_wait3A_27] : memref<256xi32, #tpu.memory_space<vmem>> -> memref<128xi32, #tpu.memory_space<vmem>>
    %dma_wait3A_29 = arith.constant 0 : i32
    %dma_wait3A_30 = tpu.memref_slice %arg2[%dma_wait3A_29] : memref<8192xi32, #tpu.memory_space<hbm>> -> memref<8192xi32, #tpu.memory_space<hbm>>
    tpu.wait_indirect_dma semaphore(%arg8 : memref<!tpu.dma_semaphore, #tpu.memory_space<semaphore_mem>>) src(%dma_wait3A_30 : memref<8192xi32, #tpu.memory_space<hbm>>) dst(%dma_wait3A_26 : memref<128xi32, #tpu.memory_space<vmem>>)
    %scan3A_31 = arith.constant 0 : i32
    %scan3A_32 = arith.constant 0 : i32
    %scan3A_33 = arith.constant 16 : i32
    %scan3A_34 = arith.addi %scan3A_32, %scan3A_33 : i32
    %scan3A_35 = arith.constant 1 : i32
    scf.for %scan3A_37 = %scan3A_32 to %scan3A_34 step %scan3A_35  : i32 {
      %mul3A_38 = arith.constant 16 : i32
      %mul3A_39 = arith.muli %scan3A_37, %mul3A_38 : i32
      %get3A = arith.index_cast %mul3A_39 : i32 to index
      %get3A_40 = tpu.vector_load %arg4[%get3A] {strides = array<i32>} : memref<256xi32, #tpu.memory_space<vmem>>, vector<16xi32>,
      %get3A_41 = vector.shape_cast %get3A_40 : vector<16xi32> to vector<16xi32>
      %mul3A_42 = arith.constant 16 : i32
      %mul3A_43 = arith.muli %scan3A_37, %mul3A_42 : i32
      %get3A_44 = arith.index_cast %mul3A_43 : i32 to index
      %get3A_45 = tpu.vector_load %arg6[%get3A_44] {strides = array<i32>} : memref<256xi32, #tpu.memory_space<vmem>>, vector<16xi32>,
      %get3A_46 = vector.shape_cast %get3A_45 : vector<16xi32> to vector<16xi32>
      %min3A = arith.minsi %get3A_41, %get3A_46 : vector<16xi32>
      %mul3A_47 = arith.constant 16 : i32
      %mul3A_48 = arith.muli %scan3A_37, %mul3A_47 : i32
      %swap3A = arith.index_cast %mul3A_48 : i32 to index
      %swap3A_49 = tpu.vector_load %arg7[%swap3A] {strides = array<i32>} : memref<256xi32, #tpu.memory_space<vmem>>, vector<16xi32>,
      %swap3A_50 = vector.shape_cast %swap3A_49 : vector<16xi32> to vector<16xi32>
      %swap3A_51 = vector.shape_cast %min3A : vector<16xi32> to vector<16xi32>
      tpu.vector_store %arg7[%swap3A], %swap3A_51 {strides = array<i32>} : memref<256xi32, #tpu.memory_space<vmem>>, vector<16xi32>,
    }
    %scan3A_36 = arith.constant 16 : i32
    "tpu.region"() ({
      %run_scoped3A = tpu.sem_alloc : memref<!tpu.dma_semaphore, #tpu.memory_space<semaphore_mem>>
      %dma_start3A_37 = tpu.memref_slice %arg3[%mul3A_2] : memref<8192xi32, #tpu.memory_space<hbm>> -> memref<256xi32, #tpu.memory_space<hbm>>
      %dma_start3A_38 = tpu.memref_slice %arg3[%mul3A_2] : memref<8192xi32, #tpu.memory_space<hbm>> -> memref<256xi32, #tpu.memory_space<hbm>>
      tpu.enqueue_dma source(%arg7 : memref<256xi32, #tpu.memory_space<vmem>>) target(%dma_start3A_38 : memref<256xi32, #tpu.memory_space<hbm>>) target_semaphore(%run_scoped3A : memref<!tpu.dma_semaphore, #tpu.memory_space<semaphore_mem>>)
      %dma_wait3A_39 = tpu.memref_slice %arg3[%mul3A_2] : memref<8192xi32, #tpu.memory_space<hbm>> -> memref<256xi32, #tpu.memory_space<hbm>>
      %dma_wait3A_40 = tpu.memref_slice %arg3[%mul3A_2] : memref<8192xi32, #tpu.memory_space<hbm>> -> memref<256xi32, #tpu.memory_space<hbm>>
      tpu.wait_dma2 semaphore(%run_scoped3A : memref<!tpu.dma_semaphore, #tpu.memory_space<semaphore_mem>>) src(%arg7 : memref<256xi32, #tpu.memory_space<vmem>>) dst(%dma_wait3A_40 : memref<256xi32, #tpu.memory_space<hbm>>)
      tpu.yield
    }) : () -> ()
    return
  }
}

module attributes {stable_mosaic.version = 14 : i64} {
  func.func @_build_mask_body(%arg0: i32, %arg1: i32, %arg2: memref<512x128xbf16, #tpu.memory_space<vmem>>, %arg3: memref<512x128xbf16, #tpu.memory_space<vmem>>, %arg4: memref<1024x128xbf16, #tpu.memory_space<vmem>>, %arg5: memref<1024x128xbf16, #tpu.memory_space<vmem>>, %arg6: memref<512x1024xi8, #tpu.memory_space<vmem>>, %arg7: memref<1x1x512xi32, #tpu.memory_space<vmem>>) attributes {dimension_semantics = [#tpu.dimension_semantics<arbitrary>, #tpu.dimension_semantics<arbitrary>], iteration_bounds = array<i64: 16, 8>, scalar_prefetch = 0 : i64, scratch_operands = 0 : i64, tpu.core_type = #tpu.core_type<tc>, window_params = [{transform_indices = @transform_0, window_bounds = array<i64: 512, 128>}, {transform_indices = @transform_1, window_bounds = array<i64: 512, 128>}, {transform_indices = @transform_2, window_bounds = array<i64: 1024, 128>}, {transform_indices = @transform_3, window_bounds = array<i64: 1024, 128>}, {transform_indices = @transform_4, window_bounds = array<i64: 512, 1024>}, {transform_indices = @transform_5, window_bounds = array<i64: 1, 1, 512>}]} {
    %get3A = arith.constant 0 : index
    %get3A_0 = arith.constant 0 : index
    %get3A_1 = vector.load %arg2[%get3A, %get3A_0] : memref<512x128xbf16, #tpu.memory_space<vmem>>, vector<512x128xbf16>
    %get3A_2 = arith.constant 0 : index
    %get3A_3 = arith.constant 0 : index
    %get3A_4 = vector.load %arg3[%get3A_2, %get3A_3] : memref<512x128xbf16, #tpu.memory_space<vmem>>, vector<512x128xbf16>
    %get3A_5 = arith.constant 0 : index
    %get3A_6 = arith.constant 0 : index
    %get3A_7 = vector.load %arg4[%get3A_5, %get3A_6] : memref<1024x128xbf16, #tpu.memory_space<vmem>>, vector<1024x128xbf16>
    %get3A_8 = arith.constant 0 : index
    %get3A_9 = arith.constant 0 : index
    %get3A_10 = vector.load %arg5[%get3A_8, %get3A_9] : memref<1024x128xbf16, #tpu.memory_space<vmem>>, vector<1024x128xbf16>
    %dot_general3A = arith.constant dense<0.000000e+00> : vector<512x1024xf32>
    %dot_general3A_11 = tpu.matmul %get3A_1, %get3A_7, %dot_general3A {dimension_numbers = #tpu.dot_dimension_numbers<[1], [1], [0], [0], [0, 0, 1, 0], [], []>, transpose_lhs_hint = false} : vector<512x128xbf16>, vector<1024x128xbf16>, vector<512x1024xf32> -> vector<512x1024xf32>
    %dot_general3A_12 = arith.constant dense<0.000000e+00> : vector<512x1024xf32>
    %dot_general3A_13 = tpu.matmul %get3A_1, %get3A_10, %dot_general3A_12 {dimension_numbers = #tpu.dot_dimension_numbers<[1], [1], [0], [0], [0, 0, 1, 0], [], []>, transpose_lhs_hint = false} : vector<512x128xbf16>, vector<1024x128xbf16>, vector<512x1024xf32> -> vector<512x1024xf32>
    %add3A = arith.addf %dot_general3A_11, %dot_general3A_13 : vector<512x1024xf32>
    %dot_general3A_14 = arith.constant dense<0.000000e+00> : vector<512x1024xf32>
    %dot_general3A_15 = tpu.matmul %get3A_4, %get3A_7, %dot_general3A_14 {dimension_numbers = #tpu.dot_dimension_numbers<[1], [1], [0], [0], [0, 0, 1, 0], [], []>, transpose_lhs_hint = false} : vector<512x128xbf16>, vector<1024x128xbf16>, vector<512x1024xf32> -> vector<512x1024xf32>
    %add3A_16 = arith.addf %add3A, %dot_general3A_15 : vector<512x1024xf32>
    %gt3A = arith.constant 4.000000e-01 : f32
    %gt3A_17 = vector.broadcast %gt3A : f32 to vector<512x1024xf32>
    %gt3A_18 = arith.cmpf ogt, %add3A_16, %gt3A_17 : vector<512x1024xf32>
    %convert_element_type3A = arith.extui %gt3A_18 : vector<512x1024xi1> to vector<512x1024xi8>
    %swap3A = arith.constant 0 : index
    %swap3A_19 = arith.constant 0 : index
    %swap3A_20 = vector.load %arg6[%swap3A, %swap3A_19] : memref<512x1024xi8, #tpu.memory_space<vmem>>, vector<512x1024xi8>
    tpu.vector_store %arg6[%swap3A, %swap3A_19], %convert_element_type3A {strides = array<i32>} : memref<512x1024xi8, #tpu.memory_space<vmem>>, vector<512x1024xi8>,
    %iota3A = tpu.iota {dimensions = array<i32: 1>} : vector<512x1024xi32>
    %mul3A = arith.constant 1024 : i32
    %mul3A_21 = arith.muli %arg1, %mul3A : i32
    %add3A_22 = vector.broadcast %mul3A_21 : i32 to vector<512x1024xi32>
    %add3A_23 = arith.addi %iota3A, %add3A_22 : vector<512x1024xi32>
    %jit3A = arith.constant 8192 : i32
    %broadcast_in_dim3A = vector.broadcast %jit3A : i32 to vector<512x1024xi32>
    %select_n3A = arith.select %gt3A_18, %add3A_23, %broadcast_in_dim3A : vector<512x1024xi1>, vector<512x1024xi32>
    %reduce_min3A = arith.constant dense<2147483647> : vector<512xi32>
    %reduce_min3A_24 = vector.multi_reduction <minsi>, %select_n3A, %reduce_min3A [1] : vector<512x1024xi32> to vector<512xi32>
    %reshape3A = vector.shape_cast %reduce_min3A_24 : vector<512xi32> to vector<1x512xi32>
    %eq3A = arith.constant 0 : i32
    %eq3A_25 = arith.cmpi eq, %arg1, %eq3A : i32
    %convert_element_type3A_26 = arith.extui %eq3A_25 : i1 to i32
    %cond3A = arith.constant 0 : i32
    %cond3A_27 = arith.cmpi ne, %convert_element_type3A_26, %cond3A : i32
    scf.if %cond3A_27 {
      %swap3A_32 = arith.constant 0 : index
      %swap3A_33 = arith.constant 0 : index
      %swap3A_34 = arith.constant 0 : index
      %swap3A_35 = vector.load %arg7[%swap3A_32, %swap3A_33, %swap3A_34] : memref<1x1x512xi32, #tpu.memory_space<vmem>>, vector<1x1x512xi32>
      %swap3A_36 = vector.shape_cast %swap3A_35 : vector<1x1x512xi32> to vector<1x512xi32>
      %swap3A_37 = vector.shape_cast %reshape3A : vector<1x512xi32> to vector<1x1x512xi32>
      tpu.vector_store %arg7[%swap3A_32, %swap3A_33, %swap3A_34], %swap3A_37 {strides = array<i32>} : memref<1x1x512xi32, #tpu.memory_space<vmem>>, vector<1x1x512xi32>,
    } else {
    }
    %ne3A = arith.constant 0 : i32
    %ne3A_28 = arith.cmpi ne, %arg1, %ne3A : i32
    %convert_element_type3A_29 = arith.extui %ne3A_28 : i1 to i32
    %cond3A_30 = arith.constant 0 : i32
    %cond3A_31 = arith.cmpi ne, %convert_element_type3A_29, %cond3A_30 : i32
    scf.if %cond3A_31 {
      %get3A_32 = arith.constant 0 : index
      %get3A_33 = arith.constant 0 : index
      %get3A_34 = arith.constant 0 : index
      %get3A_35 = vector.load %arg7[%get3A_32, %get3A_33, %get3A_34] : memref<1x1x512xi32, #tpu.memory_space<vmem>>, vector<1x1x512xi32>
      %get3A_36 = vector.shape_cast %get3A_35 : vector<1x1x512xi32> to vector<1x512xi32>
      %min3A = arith.minsi %get3A_36, %reshape3A : vector<1x512xi32>
      %swap3A_37 = arith.constant 0 : index
      %swap3A_38 = arith.constant 0 : index
      %swap3A_39 = arith.constant 0 : index
      %swap3A_40 = vector.load %arg7[%swap3A_37, %swap3A_38, %swap3A_39] : memref<1x1x512xi32, #tpu.memory_space<vmem>>, vector<1x1x512xi32>
      %swap3A_41 = vector.shape_cast %swap3A_40 : vector<1x1x512xi32> to vector<1x512xi32>
      %swap3A_42 = vector.shape_cast %min3A : vector<1x512xi32> to vector<1x1x512xi32>
      tpu.vector_store %arg7[%swap3A_37, %swap3A_38, %swap3A_39], %swap3A_42 {strides = array<i32>} : memref<1x1x512xi32, #tpu.memory_space<vmem>>, vector<1x1x512xi32>,
    } else {
    }
    return
  }
  func.func @transform_0(%arg0: i32, %arg1: i32) -> (i32, i32) {
    %c0_i32 = arith.constant 0 : i32
    %c0_i32_0 = arith.constant 0 : i32
    return %arg0, %c0_i32 : i32, i32
  }
  func.func @transform_1(%arg0: i32, %arg1: i32) -> (i32, i32) {
    %c0_i32 = arith.constant 0 : i32
    %c0_i32_0 = arith.constant 0 : i32
    return %arg0, %c0_i32 : i32, i32
  }
  func.func @transform_2(%arg0: i32, %arg1: i32) -> (i32, i32) {
    %c0_i32 = arith.constant 0 : i32
    %c0_i32_0 = arith.constant 0 : i32
    return %arg1, %c0_i32 : i32, i32
  }
  func.func @transform_3(%arg0: i32, %arg1: i32) -> (i32, i32) {
    %c0_i32 = arith.constant 0 : i32
    %c0_i32_0 = arith.constant 0 : i32
    return %arg1, %c0_i32 : i32, i32
  }
  func.func @transform_4(%arg0: i32, %arg1: i32) -> (i32, i32) {
    %c0_i32 = arith.constant 0 : i32
    return %arg0, %arg1 : i32, i32
  }
  func.func @transform_5(%arg0: i32, %arg1: i32) -> (i32, i32, i32) {
    %c0_i32 = arith.constant 0 : i32
    %c0_i32_0 = arith.constant 0 : i32
    %c0_i32_1 = arith.constant 0 : i32
    return %arg0, %c0_i32, %c0_i32_0 : i32, i32, i32
  }
}

module attributes {stable_mosaic.version = 14 : i64} {
  func.func @_sweep_body(%arg0: i32, %arg1: memref<512x8192xi8, #tpu.memory_space<vmem>>, %arg2: memref<1x8192xi32, #tpu.memory_space<vmem>>, %arg3: memref<1x1x512xi32, #tpu.memory_space<vmem>>) attributes {dimension_semantics = [#tpu.dimension_semantics<arbitrary>], iteration_bounds = array<i64: 16>, scalar_prefetch = 0 : i64, scratch_operands = 0 : i64, tpu.core_type = #tpu.core_type<tc>, window_params = [{transform_indices = @transform_0, window_bounds = array<i64: 512, 8192>}, {pipeline_mode = #tpu.pipeline_mode<synchronous>, transform_indices = @transform_1, window_bounds = array<i64: 1, 8192>}, {transform_indices = @transform_2, window_bounds = array<i64: 1, 1, 512>}]} {
    %get3A = arith.constant 0 : index
    %get3A_0 = arith.constant 0 : index
    %get3A_1 = vector.load %arg1[%get3A, %get3A_0] : memref<512x8192xi8, #tpu.memory_space<vmem>>, vector<512x8192xi8>
    %convert_element_type3A = arith.extsi %get3A_1 : vector<512x8192xi8> to vector<512x8192xi32>
    %ne3A = arith.constant 0 : i32
    %ne3A_2 = vector.broadcast %ne3A : i32 to vector<512x8192xi32>
    %ne3A_3 = arith.cmpi ne, %convert_element_type3A, %ne3A_2 : vector<512x8192xi32>
    %get3A_4 = arith.constant 0 : index
    %get3A_5 = arith.constant 0 : index
    %get3A_6 = vector.load %arg2[%get3A_4, %get3A_5] : memref<1x8192xi32, #tpu.memory_space<vmem>>, vector<1x8192xi32>
    %broadcast_in_dim3A = vector.shape_cast %get3A_6 : vector<1x8192xi32> to vector<1x8192xi32>
    %broadcast_in_dim3A_7 = vector.broadcast %broadcast_in_dim3A : vector<1x8192xi32> to vector<512x8192xi32>
    %jit3A = arith.constant 8192 : i32
    %broadcast_in_dim3A_8 = vector.broadcast %jit3A : i32 to vector<512x8192xi32>
    %select_n3A = arith.select %ne3A_3, %broadcast_in_dim3A_7, %broadcast_in_dim3A_8 : vector<512x8192xi1>, vector<512x8192xi32>
    %reduce_min3A = arith.constant dense<2147483647> : vector<512xi32>
    %reduce_min3A_9 = vector.multi_reduction <minsi>, %select_n3A, %reduce_min3A [1] : vector<512x8192xi32> to vector<512xi32>
    %reshape3A = vector.shape_cast %reduce_min3A_9 : vector<512xi32> to vector<1x512xi32>
    %swap3A = arith.constant 0 : index
    %swap3A_10 = arith.constant 0 : index
    %swap3A_11 = arith.constant 0 : index
    %swap3A_12 = vector.load %arg3[%swap3A, %swap3A_10, %swap3A_11] : memref<1x1x512xi32, #tpu.memory_space<vmem>>, vector<1x1x512xi32>
    %swap3A_13 = vector.shape_cast %swap3A_12 : vector<1x1x512xi32> to vector<1x512xi32>
    %swap3A_14 = vector.shape_cast %reshape3A : vector<1x512xi32> to vector<1x1x512xi32>
    tpu.vector_store %arg3[%swap3A, %swap3A_10, %swap3A_11], %swap3A_14 {strides = array<i32>} : memref<1x1x512xi32, #tpu.memory_space<vmem>>, vector<1x1x512xi32>,
    return
  }
  func.func @transform_0(%arg0: i32) -> (i32, i32) {
    %c0_i32 = arith.constant 0 : i32
    %c0_i32_0 = arith.constant 0 : i32
    return %arg0, %c0_i32 : i32, i32
  }
  func.func @transform_1(%arg0: i32) -> (i32, i32) {
    %c0_i32 = arith.constant 0 : i32
    %c0_i32_0 = arith.constant 0 : i32
    %c0_i32_1 = arith.constant 0 : i32
    return %c0_i32, %c0_i32_0 : i32, i32
  }
  func.func @transform_2(%arg0: i32) -> (i32, i32, i32) {
    %c0_i32 = arith.constant 0 : i32
    %c0_i32_0 = arith.constant 0 : i32
    %c0_i32_1 = arith.constant 0 : i32
    return %arg0, %c0_i32, %c0_i32_0 : i32, i32, i32
  }
}

module attributes {stable_mosaic.version = 14 : i64} {
  func.func @_normalize_body(%arg0: memref<8192x128xf32, #tpu.memory_space<vmem>>, %arg1: memref<8192x128xbf16, #tpu.memory_space<vmem>>, %arg2: memref<8192x128xbf16, #tpu.memory_space<vmem>>) attributes {dimension_semantics = [], scalar_prefetch = 0 : i64, scratch_operands = 0 : i64, tpu.core_type = #tpu.core_type<tc>} {
    %get3A = arith.constant 0 : index
    %get3A_0 = arith.constant 0 : index
    %get3A_1 = vector.load %arg0[%get3A, %get3A_0] : memref<8192x128xf32, #tpu.memory_space<vmem>>, vector<8192x128xf32>
    %mul3A = arith.mulf %get3A_1, %get3A_1 : vector<8192x128xf32>
    %reduce_sum3A = arith.constant dense<0.000000e+00> : vector<8192xf32>
    %reduce_sum3A_2 = vector.multi_reduction <add>, %mul3A, %reduce_sum3A [1] : vector<8192x128xf32> to vector<8192xf32>
    %broadcast_in_dim3A = vector.shape_cast %reduce_sum3A_2 : vector<8192xf32> to vector<8192x1xf32>
    %sqrt3A = math.sqrt %broadcast_in_dim3A : vector<8192x1xf32>
    %div3A = vector.broadcast %sqrt3A : vector<8192x1xf32> to vector<8192x128xf32>
    %div3A_3 = arith.divf %get3A_1, %div3A : vector<8192x128xf32>
    %convert_element_type3A = arith.truncf %div3A_3 : vector<8192x128xf32> to vector<8192x128xbf16>
    %swap3A = arith.constant 0 : index
    %swap3A_4 = arith.constant 0 : index
    %swap3A_5 = vector.load %arg1[%swap3A, %swap3A_4] : memref<8192x128xbf16, #tpu.memory_space<vmem>>, vector<8192x128xbf16>
    tpu.vector_store %arg1[%swap3A, %swap3A_4], %convert_element_type3A {strides = array<i32>} : memref<8192x128xbf16, #tpu.memory_space<vmem>>, vector<8192x128xbf16>,
    %convert_element_type3A_6 = arith.extf %convert_element_type3A : vector<8192x128xbf16> to vector<8192x128xf32>
    %sub3A = arith.subf %div3A_3, %convert_element_type3A_6 : vector<8192x128xf32>
    %convert_element_type3A_7 = arith.truncf %sub3A : vector<8192x128xf32> to vector<8192x128xbf16>
    %swap3A_8 = arith.constant 0 : index
    %swap3A_9 = arith.constant 0 : index
    %swap3A_10 = vector.load %arg2[%swap3A_8, %swap3A_9] : memref<8192x128xbf16, #tpu.memory_space<vmem>>, vector<8192x128xbf16>
    tpu.vector_store %arg2[%swap3A_8, %swap3A_9], %convert_element_type3A_7 {strides = array<i32>} : memref<8192x128xbf16, #tpu.memory_space<vmem>>, vector<8192x128xbf16>,
    return
  }
}

module attributes {stable_mosaic.version = 14 : i64} {
  func.func @_rank_body(%arg0: memref<64x128xi32, #tpu.memory_space<vmem>>, %arg1: memref<64x128xi32, #tpu.memory_space<vmem>>) attributes {dimension_semantics = [], scalar_prefetch = 0 : i64, scratch_operands = 0 : i64, tpu.core_type = #tpu.core_type<tc>} {
    %get3A = arith.constant 0 : index
    %get3A_0 = arith.constant 0 : index
    %get3A_1 = vector.load %arg0[%get3A, %get3A_0] : memref<64x128xi32, #tpu.memory_space<vmem>>, vector<64x128xi32>
    %iota3A = tpu.iota {dimensions = array<i32: 0>} : vector<64x128xi32>
    %mul3A = arith.constant 128 : i32
    %mul3A_2 = vector.broadcast %mul3A : i32 to vector<64x128xi32>
    %mul3A_3 = arith.muli %iota3A, %mul3A_2 : vector<64x128xi32>
    %iota3A_4 = tpu.iota {dimensions = array<i32: 1>} : vector<64x128xi32>
    %add3A = arith.addi %mul3A_3, %iota3A_4 : vector<64x128xi32>
    %eq3A = arith.cmpi eq, %get3A_1, %add3A : vector<64x128xi32>
    %convert_element_type3A = arith.extui %eq3A : vector<64x128xi1> to vector<64x128xi32>
    %convert_element_type3A_5 = arith.sitofp %convert_element_type3A : vector<64x128xi32> to vector<64x128xf32>
    %iota3A_6 = tpu.iota {dimensions = array<i32: 0>} : vector<128x128xi32>
    %iota3A_7 = tpu.iota {dimensions = array<i32: 1>} : vector<128x128xi32>
    %le3A = arith.cmpi sle, %iota3A_6, %iota3A_7 : vector<128x128xi32>
    %convert_element_type3A_8 = arith.extui %le3A : vector<128x128xi1> to vector<128x128xi32>
    %convert_element_type3A_9 = arith.sitofp %convert_element_type3A_8 : vector<128x128xi32> to vector<128x128xf32>
    %dot_general3A = arith.constant dense<0.000000e+00> : vector<64x128xf32>
    %dot_general3A_10 = tpu.matmul %convert_element_type3A_5, %convert_element_type3A_9, %dot_general3A {dimension_numbers = #tpu.dot_dimension_numbers<[1], [0], [0], [1], [0, 0, 1, 1], [], []>, precision = #tpu.contract_precision<fp32>, transpose_lhs_hint = false} : vector<64x128xf32>, vector<128x128xf32>, vector<64x128xf32> -> vector<64x128xf32>
    %iota3A_11 = tpu.iota {dimensions = array<i32: 1>} : vector<64x64xi32>
    %iota3A_12 = tpu.iota {dimensions = array<i32: 0>} : vector<64x64xi32>
    %lt3A = arith.cmpi slt, %iota3A_11, %iota3A_12 : vector<64x64xi32>
    %convert_element_type3A_13 = arith.extui %lt3A : vector<64x64xi1> to vector<64x64xi32>
    %convert_element_type3A_14 = arith.sitofp %convert_element_type3A_13 : vector<64x64xi32> to vector<64x64xf32>
    %slice3A = vector.extract_strided_slice %dot_general3A_10 {offsets = [0, 127], sizes = [64, 1], strides = [1, 1]} : vector<64x128xf32> to vector<64x1xf32>
    %dot_general3A_15 = arith.constant dense<0.000000e+00> : vector<64x1xf32>
    %dot_general3A_16 = tpu.matmul %convert_element_type3A_14, %slice3A, %dot_general3A_15 {dimension_numbers = #tpu.dot_dimension_numbers<[1], [0], [0], [1], [0, 0, 1, 1], [], []>, precision = #tpu.contract_precision<fp32>, transpose_lhs_hint = false} : vector<64x64xf32>, vector<64x1xf32>, vector<64x1xf32> -> vector<64x1xf32>
    %add3A_17 = vector.broadcast %dot_general3A_16 : vector<64x1xf32> to vector<64x128xf32>
    %add3A_18 = arith.addf %dot_general3A_10, %add3A_17 : vector<64x128xf32>
    %sub3A = arith.constant 1.000000e+00 : f32
    %sub3A_19 = vector.broadcast %sub3A : f32 to vector<64x128xf32>
    %sub3A_20 = arith.subf %add3A_18, %sub3A_19 : vector<64x128xf32>
    %convert_element_type3A_21 = arith.fptosi %sub3A_20 : vector<64x128xf32> to vector<64x128xi32>
    %swap3A = arith.constant 0 : index
    %swap3A_22 = arith.constant 0 : index
    %swap3A_23 = vector.load %arg1[%swap3A, %swap3A_22] : memref<64x128xi32, #tpu.memory_space<vmem>>, vector<64x128xi32>
    tpu.vector_store %arg1[%swap3A, %swap3A_22], %convert_element_type3A_21 {strides = array<i32>} : memref<64x128xi32, #tpu.memory_space<vmem>>, vector<64x128xi32>,
    return
  }
}

</mosaic_0001>

<sc_bundles>
// kernel: body.8.cloned.1.call-start
scs
__scs_entry_jumppad:
0x0: {  	(pc) =	sbr.rel $0x88, $3  }
0x1: {  	(tag) =	ssettag $0x0;
	lr =	simm.s32 $0x1  }
0x2: {  	[smem:$0x3FA0] =	sst lr;
	_ =	strace $0xD0000000  }
0x3: {  	_ = 	snop  }
0x4: {  	_ = 	snop  }
0x5: {  	_ = 	snop  }
0x6: {  	_ = 	snop  }
0x7: {  	_ = 	snop  }
__scs_overlays_trampoline_lowered:
0x8: {  	[smem:$0x3FAF] =	sst s0  }
0x9: {  	[smem:$0x3FB0] =	sst s1  }
0xa: {  	[smem:$0x3FB1] =	sst s2  }
0xb: {  	[smem:$0x3FB2] =	sst s3  }
0xc: {  	[smem:$0x3FB3] =	sst s4  }
0xd: {  	[smem:$0x3FB4] =	sst s5  }
0xe: {  	[smem:$0x3FB5] =	sst s6  }
0xf: {  	[smem:$0x3FB6] =	sst s7  }
0x10: {  	[smem:$0x3FB7] =	sst s8  }
0x11: {  	[smem:$0x3FB8] =	sst s9;
	s0 =	simm.s32 @!p0 $0x0  }
0x12: {  	s1 =	sld [smem:$0x3F9E];
	s0 =	simm.s32 @p0 $0x1  }
0x13: {  	[smem:$0x3FB9] =	sst s0;
	s0 =	simm.s32 @!p1 $0x0  }
0x14: {  	s2 =	sld [smem:$0x3F9D];
	s0 =	simm.s32 @p1 $0x1  }
0x15: {  	[smem:$0x3FBA] =	sst s0;
	s0 =	simm.s32 @!p2 $0x0  }
0x16: {  	s3 =	sld [smem:$0x3FDB];
	s0 =	simm.s32 @p2 $0x1  }
0x17: {  	s4 =	simm.s32 $0x1BF5;
	[smem:$0x3FBC] =	sst s0  }
0x18: {  	s0 =	sld [smem:$0x3F9F];
	_ =	swait.ge [sflag:s4], $0x0  }
0x19: {  	s7 =	sld [smem:$0x3FA0]  }
0x1a: {  	s8 =	sadd.s32 $0xFFFFE003, lr  }
0x1b: {  	s9 =	sadd.s32 $0xFFFFFEF7, lr;
	s5 =	simm.s32 $0xFFFFFFFF;
	p2 =	slt.u32 s8, $0xFFFFF086  }
0x1c: {  	p1 =	slt.u32 s9, $0xF7A;
	s5 =	simm.s32 @!p2 $0x0  }
0x1d: {  	s5 =	simm.s32 @p1 $0x1;
	p0 =	seq.s32 s7, s2  }
0x1e: {  	s7 =	smul.u32 @!p0 $0xF7A, s2;
	p2 =	seq.s32 @!p0 s5, $0x0  }
0x1f: {  	s9 =	smul.u32 $0xF7A, s1;
	s8 =	simm.s32 @!p0 $0x1BF5;
	p2 =	por !p2, p0  }
0x20: {  	[sflag:s8] =	ssyncset.s32 @!p0 $0xFFFFF086;
	s6 =	sadd.s32 @!p0 s3, s7;
	s7 =	simm.s32 @!p0 $0x108  }
0x21: {  	s3 =	sadd.s32 s3, s9;
	s6 =	sadd.s32 @!p0 $0x88, s6;
	s7 =	simm.s32 @p2 $0x1082  }
0x22: {  	[simem:s7], [sflag:s8] =	dma.local @!p0 [hbm:s6], $0xF7A  }
0x23: {  	s9 =	sor.u32 $0xD0000000, s2;
	s6 =	simm.s32 $0x108;
	_ =	swait.ge @!p0 [sflag:s8], $0x0  }
0x24: {  	s3 =	sadd.s32 $0x88, s3;
	s6 =	simm.s32 @!p1 $0x1082;
	[sflag:s4] =	ssyncset.s32 $0xFFFFF086  }
0x25: {  	[simem:s6], [sflag:s4] =	dma.local [hbm:s3], $0xF7A  }
0x26: {  	[smem:$0x3FA0] =	sst s1;
	(tag) =	ssettag s2;
	_ =	strace s9  }
0x27: {  	s1 =	sld [smem:$0x3FB0]  }
0x28: {  	s2 =	sld [smem:$0x3FB1]  }
0x29: {  	s4 =	sld [smem:$0x3FB3]  }
0x2a: {  	p0 =	seq.s32 s5, $0x0;
	s5 =	sld [smem:$0x3FB4]  }
0x2b: {  	s6 =	sld [smem:$0x3FB5]  }
0x2c: {  	s7 =	sld [smem:$0x3FB6]  }
0x2d: {  	s3 =	simm.s32 $0x108;
	s8 =	sld [smem:$0x3FB7]  }
0x2e: {  	s3 =	simm.s32 @!p0 $0x1082;
	s9 =	sld [smem:$0x3FB8]  }
0x2f: {  	lr =	sadd.s32 s0, s3;
	s0 =	sld [smem:$0x3FAF]  }
0x30: {  	s3 =	sld [smem:$0x3FB2]  }
0x31: {  	[smem:$0x3FBB] =	sst s10  }
0x32: {  	s10 =	sld [smem:$0x3FB9];
	_ =	sdelay $0x3  }
0x33: {  	p0 =	seq.s32 s10, $0x1;
	s10 =	sld [smem:$0x3FBB];
	_ =	sdelay $0x3  }
0x34: {  	[smem:$0x3FBB] =	sst s10  }
0x35: {  	s10 =	sld [smem:$0x3FBA];
	_ =	sdelay $0x3  }
0x36: {  	p1 =	seq.s32 s10, $0x1;
	s10 =	sld [smem:$0x3FBB];
	_ =	sdelay $0x3  }
0x37: {  	[smem:$0x3FBB] =	sst s10  }
0x38: {  	s10 =	sld [smem:$0x3FBC]  }
0x39: {  	_ = 	snop;
	(pc) =	sbr.ind lr, $3  }
0x3a: {  	_ = 	snop  }
0x3b: {  	_ = 	snop  }
0x3c: {  	p2 =	seq.s32 s10, $0x1;
	s10 =	sld [smem:$0x3FBB]  }
0x3d: {  	_ =	shalt  }
0x3e: {  	_ =	shalt  }
0x3f: {  	_ =	shalt  }
0x40: {  	_ =	shalt  }
0x41: {  	_ =	shalt  }
0x42: {  	_ =	shalt  }
0x43: {  	_ =	shalt  }
0x44: {  	_ =	shalt  }
0x45: {  	_ =	shalt  }
0x46: {  	_ =	shalt  }
0x47: {  	_ =	shalt  }
0x48: {  	_ =	shalt  }
0x49: {  	_ =	shalt  }
0x4a: {  	_ =	shalt  }
0x4b: {  	_ =	shalt  }
0x4c: {  	_ =	shalt  }
0x4d: {  	_ =	shalt  }
0x4e: {  	_ =	shalt  }
0x4f: {  	_ =	shalt  }
0x50: {  	_ =	shalt  }
0x51: {  	_ =	shalt  }
0x52: {  	_ =	shalt  }
0x53: {  	_ =	shalt  }
0x54: {  	_ =	shalt  }
0x55: {  	_ =	shalt  }
0x56: {  	_ =	shalt  }
0x57: {  	_ =	shalt  }
0x58: {  	_ =	shalt  }
0x59: {  	_ =	shalt  }
0x5a: {  	_ =	shalt  }
0x5b: {  	_ =	shalt  }
0x5c: {  	_ =	shalt  }
0x5d: {  	_ =	shalt  }
0x5e: {  	_ =	shalt  }
0x5f: {  	_ =	shalt  }
0x60: {  	_ =	shalt  }
0x61: {  	_ =	shalt  }
0x62: {  	_ =	shalt  }
0x63: {  	_ =	shalt  }
0x64: {  	_ =	shalt  }
0x65: {  	_ =	shalt  }
0x66: {  	_ =	shalt  }
0x67: {  	_ =	shalt  }
0x68: {  	_ =	shalt  }
0x69: {  	_ =	shalt  }
0x6a: {  	_ =	shalt  }
0x6b: {  	_ =	shalt  }
0x6c: {  	_ =	shalt  }
0x6d: {  	_ =	shalt  }
0x6e: {  	_ =	shalt  }
0x6f: {  	_ =	shalt  }
0x70: {  	_ =	shalt  }
0x71: {  	_ =	shalt  }
0x72: {  	_ =	shalt  }
0x73: {  	_ =	shalt  }
0x74: {  	_ =	shalt  }
0x75: {  	_ =	shalt  }
0x76: {  	_ =	shalt  }
0x77: {  	_ =	shalt  }
0x78: {  	_ =	shalt  }
0x79: {  	_ =	shalt  }
0x7a: {  	_ =	shalt  }
0x7b: {  	_ =	shalt  }
0x7c: {  	_ =	shalt  }
0x7d: {  	_ =	shalt  }
0x7e: {  	_ =	shalt  }
0x7f: {  	_ =	shalt  }
0x80: {  	_ =	shalt  }
0x81: {  	_ =	shalt  }
0x82: {  	_ =	shalt  }
0x83: {  	_ =	shalt  }
0x84: {  	_ =	shalt  }
0x85: {  	_ =	shalt  }
0x86: {  	_ =	shalt  }
0x87: {  	_ =	shalt  }
.Lfunc_end0:
.L_simem_size_0:
called_computation_lowered:
.L_overlay_start_0:
0x88: {  	s2 =	sld [smem:$0x3FD9]  }
0x89: {  	s3 =	sld [smem:$0x3FFE];
	_ =	sdelay $0x1  }
0x8a: {  	s1 =	srdreg.scid  }
0x8b: {  	s0 =	sand.u32 $0x1, s1  }
0x8c: {  	s17 =	sshll.u32 s0, $0xA;
	s2 =	sadd.s32 s3, s2  }
0x8d: {  	s2 =	sadd.s32 s2, s17  }
0x8e: {  	[smem:$0x3FC7] =	sst s2  }
0x8f: {  	_ = 	snop  }
0x90: {  	s2 =	sld [smem:$0x3FD0];
	(tm) =	ssettm $0x1  }
0x91: {  	s18 =	sld [smem:$0x3FFB];
	_ =	sdelay $0x3  }
0x92: {  	_ =	strace s18  }
0x93: {  	s3 =	sld [smem:$0x3FFC];
	_ =	sdelay $0x3  }
0x94: {  	_ =	strace s3  }
0x95: {  	s3 =	sld [smem:$0x3FFD];
	_ =	sdelay $0x3  }
0x96: {  	_ =	strace s3  }
0x97: {  	_ =	strace $0x8FFFFFFF  }
0x98: {  	s19 =	sld [smem:$0x3FDB];
	_ =	sdelay $0x1  }
0x99: {  	s4 =	simm.s32 $_scs_section_size  }
0x9a: {  	s5 =	simm.s32 $_size__tile_overlayer_lowered;
	s6 =	simm.s32 $_tile_overlayer_lowered  }
0x9b: {  	s22 =	simm.s32 $0x1BFF;
	s21 =	sshll.u32 s6, $0x1;
	s3 =	sadd.s32 s4, s19  }
0x9c: {  	s7 =	simm.s32 $0x0;
	s20 =	sshll.u32 s5, $0x1;
	s5 =	sadd.s32 s21, s3  }
0x9d: {  	[timem:s7], [sflag:s22] =	dma.local [hbm:s5], s20  }
0x9e: {  	_ =	swait.ge [sflag:s22], s20  }
0x9f: {  	s4 =	ssub.s32 $0x0, s20;
	[sflag:s22] =	ssyncset.done $0x0  }
0xa0: {  	[sflag:s22] =	ssyncadd.s32 s4;
	_ =	sdelay $0x1  }
0xa1: {  	s23 =	simm.s32 $0x1B8B  }
0xa2: {  	_ =	swait.ge [sflag:s23], $0x1  }
0xa3: {  	[sflag:s23] =	ssyncset.done $0x0  }
0xa4: {  	s25 =	simm.s32 $0x1B8E;
	s24 =	sld [smem:$0x3FFE];
	[sflag:s23] =	ssyncadd.s32 $0xFFFFFFFF  }
0xa5: {  	s26 =	simm.s32 $execute0_lowered;
	[smem:$0x3FD2] =	sst s25  }
0xa6: {  	s5 =	sshll.u32 s26, $0x1;
	_ =	strace $0x8000004C;
	[dreg:$0x1] =	wrdreg $0xFFFFFFFF  }
0xa7: {  	s28 =	simm.s32 $_size_execute0_lowered;
	s3 =	sadd.s32 s3, s5;
	[dreg:$0x0] =	wrdreg $0x0  }
0xa8: {  	s5 =	sshll.u32 s28, $0x1;
	[dreg:$0x2] =	wrdreg s3  }
0xa9: {  	[dreg:$0x3] =	wrdreg s5  }
0xaa: {  	[dreg:$0x4] =	wrdreg $0xC0  }
0xab: {  	_ =	task [dreg:s7], $0x5FFFF  }
0xac: {  	[dreg:$0x1] =	wrdreg $0xFFFFFFFF  }
0xad: {  	[dreg:$0x0] =	wrdreg $0x60  }
0xae: {  	[dreg:$0x2] =	wrdreg s2  }
0xaf: {  	[dreg:$0x3] =	wrdreg s24  }
0xb0: {  	[dreg:$0x4] =	wrdreg $0x9  }
0xb1: {  	_ =	task.clear_ibuf [dreg:s7], $0x5FFFF;
	_ =	strace $0x9000004C  }
0xb2: {  	s29 =	simm.s32 $0x9;
	_ =	strace $0x8000004E  }
0xb3: {  	_ =	swait.ge [sflag:s29], $0x1  }
0xb4: {  	[sflag:s29] =	ssyncadd.s32 $0xFFFFFFFF  }
0xb5: {  	_ =	strace $0x9000004E  }
0xb6: {  	_ =	sfence  }
0xb7: {  	s30 =	sld [smem:$0x0];
	_ =	sdelay $0x2  }
0xb8: {  	s31 =	sshll.u32 s1, $0xD;
	s1 =	sshrl.u32 s1, $0x2  }
0xb9: {  	s3 =	sand.u32 $0x4000, s31;
	s1 =	sadd.s32 s1, s30  }
0xba: {  	s0 =	sor.u32 s3, s0;
	s1 =	sshll.u32 s1, $0x11  }
0xbb: {  	s0 =	sor.u32 s1, s0  }
0xbc: {  	s0 =	sadd.s32 $0x8F2B, s0  }
0xbd: {  	[sflag:s0] =	ssyncadd.remote.s32 $0x1  }
0xbe: {  	_ =	sfence.sel $0xFFFF  }
0xbf: {  	[dreg:$0x0] =	wrdreg $0xFFFFFFFF;
	(pc) =	sbr.abs _section_cstart, $3  }
0xc0: {  	[dreg:$0x1] =	wrdreg $0xFFFFFFFF  }
0xc1: {  	_ =	task.clear_ibuf [dreg:s7], $0x2FFFF;
	_ =	strace $0x9FFFFFFF  }
0xc2: {  	(tm) =	ssettm $0x7FFFFFFF  }
0xc3: {  	_ =	shalt  }
tec
execute0_lowered:
.L_overlay_start_1:
0x0: {  	(tag) =	ssettag $0x1  }
0x1: {  	s1 =	rddreg [dreg:$0x0]  }
0x2: {  	s4 =	rddreg [dreg:$0x1]  }
0x3: {  	s0 =	rddreg [dreg:$0x2];
	s5 =	srdreg.scid  }
0x4: {  	s3 =	simm.s32 $0x0;
	s2 =	stileid.u32;
	s9 =	simm.s32 $0x100  }
0x5: {  	s10 =	simm.s32 $0x200;
	s11 =	simm.s32 $0x180;
	s12 =	simm.s32 $0x280  }
0x6: {  	s13 =	simm.s32 $0x1;
	s14 =	simm.s32 $0x300;
	s5 =	sand.u32 $0x1, s5  }
0x7: {  	s15 =	simm.s32 $0x0;
	s6 =	sshll.u32 s2, $0x6;
	s7 =	sshll.u32 s5, $0x5  }
0x8: {  	[smem:$0x7FF] =	sst s3;
	s5 =	ssub.s32 $0x2, s5;
	s6 =	sor.u32 s7, s6  }
0x9: {  	_ =	strace $0x8000004D;
	s31 =	sshrl.u32 s5, $0x1;
	s8 =	sadd.s32 s6, s4  }
0xa: {  	s7 =	ssub.s32 s5, s31;
	s4 =	sadd.s32 s1, s6;
	s5 =	sadd.s32 $0x202200, s8  }
0xb: {  	s6 =	smax.u32 s7, $0x1;
	s7 =	simm.s32 $0x2;
	s8 =	simm.s32 $0x80  }
.LBB2_1:
0xc: {  	[tilespmem:s3], [sflag:$0x2] =	stream.linear.gather [hbm4b:s4+s3], $0x100, $0x38;
	[tilespmem:$0x400] =	vst v63  }
0xd: {  	_ =	swait.ge [sflag:s7], $0x100  }
0xe: {  	[sflag:s7] =	ssyncset.done $0x0  }
0xf: {  	[sflag:s7] =	ssyncadd.s32 $0xFFFFFF00  }
0x10: {  	v0 =	vld [tilespmem:$0x0]  }
0x11: {  	v1 =	vld [tilespmem:$0x10]  }
0x12: {  	v2 =	vld [tilespmem:$0x20]  }
0x13: {  	v3 =	vld [tilespmem:$0x30]  }
0x14: {  	v4 =	vld [tilespmem:$0x40]  }
0x15: {  	v5 =	vld [tilespmem:$0x50];
	vm0 =	vlt.s32 v0, $0x1FFF  }
0x16: {  	v6 =	vld [tilespmem:$0x60];
	vm13 =	vlt.s32 v1, $0x1FFF;
	v0 =	vnsel vm0, $0x1FFF, v0  }
0x17: {  	vm14 =	vlt.s32 v2, $0x1FFF;
	[tilespmem:$0x100] =	vst v0;
	v0 =	vnsel vm13, $0x1FFF, v1;
	v1 =	vld [tilespmem:$0x70]  }
0x18: {  	vm15 =	vlt.s32 v3, $0x1FFF;
	[tilespmem:$0x110] =	vst v0;
	v0 =	vnsel vm14, $0x1FFF, v2;
	v2 =	vld [tilespmem:$0x80]  }
0x19: {  	vm4 =	vlt.s32 v4, $0x1FFF;
	[tilespmem:$0x120] =	vst v0;
	v0 =	vnsel vm15, $0x1FFF, v3;
	v3 =	vld [tilespmem:$0x90]  }
0x1a: {  	v61 =	vld [tilespmem:$0xA0];
	vm5 =	vlt.s32 v5, $0x1FFF;
	[tilespmem:$0x130] =	vst v0;
	v0 =	vnsel vm4, $0x1FFF, v4  }
0x1b: {  	v62 =	vld [tilespmem:$0xB0];
	vm6 =	vlt.s32 v6, $0x1FFF;
	[tilespmem:$0x140] =	vst v0;
	v0 =	vnsel vm5, $0x1FFF, v5  }
0x1c: {  	v63 =	vld [tilespmem:$0xC0];
	[tilespmem:$0x150] =	vst v0;
	v0 =	vnsel vm6, $0x1FFF, v6;
	vm7 =	vlt.s32 v1, $0x1FFF  }
0x1d: {  	[tilespmem:$0x160] =	vst v0;
	v0 =	vnsel vm7, $0x1FFF, v1;
	vm8 =	vlt.s32 v2, $0x1FFF;
	v1 =	vld [tilespmem:$0xD0]  }
0x1e: {  	[tilespmem:$0x170] =	vst v0;
	v0 =	vnsel vm8, $0x1FFF, v2;
	vm9 =	vlt.s32 v3, $0x1FFF;
	v2 =	vld [tilespmem:$0xE0]  }
0x1f: {  	vm10 =	vlt.s32 v61, $0x1FFF;
	[tilespmem:$0x180] =	vst v0;
	v0 =	vnsel vm9, $0x1FFF, v3;
	v3 =	vld [tilespmem:$0xF0]  }
0x20: {  	vm11 =	vlt.s32 v62, $0x1FFF;
	[tilespmem:$0x190] =	vst v0;
	v0 =	vnsel vm10, $0x1FFF, v61  }
0x21: {  	vm12 =	vlt.s32 v63, $0x1FFF;
	[tilespmem:$0x1A0] =	vst v0;
	v0 =	vnsel vm11, $0x1FFF, v62  }
0x22: {  	[tilespmem:$0x1B0] =	vst v0;
	v0 =	vnsel vm12, $0x1FFF, v63;
	vm13 =	vlt.s32 v1, $0x1FFF  }
0x23: {  	[tilespmem:$0x1C0] =	vst v0;
	v0 =	vnsel vm13, $0x1FFF, v1;
	vm14 =	vlt.s32 v2, $0x1FFF  }
0x24: {  	[tilespmem:$0x1D0] =	vst v0;
	v0 =	vnsel vm14, $0x1FFF, v2;
	vm15 =	vlt.s32 v3, $0x1FFF  }
0x25: {  	[tilespmem:$0x1E0] =	vst v0;
	v0 =	vnsel vm15, $0x1FFF, v3  }
0x26: {  	[tilespmem:$0x1F0] =	vst v0  }
0x27: {  	[tilespmem:s10], [sflag:$0x1] =	stream.indirect.gather [hbm4b:s1+s8], $0x1, s9, s8, $0xb8;
	[tilespmem:$0x400] =	vst v63  }
0x28: {  	_ = 	snop  }
0x29: {  	[tilespmem:s12], [sflag:$0x1] =	stream.indirect.gather [hbm4b:s1+s8], $0x1, s11, s8, $0xb8;
	[tilespmem:$0x400] =	vst v63  }
0x2a: {  	_ =	swait.ge [sflag:s13], $0x80  }
0x2b: {  	[sflag:s13] =	ssyncset.done $0x0  }
0x2c: {  	[sflag:s13] =	ssyncadd.s32 $0xFFFFFF80  }
0x2d: {  	_ =	swait.ge [sflag:s13], $0x80  }
0x2e: {  	[sflag:s13] =	ssyncset.done $0x0  }
0x2f: {  	s16 =	simm.s32 $0x0;
	[sflag:s13] =	ssyncadd.s32 $0xFFFFFF80  }
0x30: {  	v0 =	vld [tilespmem:s16+$0x0]  }
0x31: {  	s17 =	simm.s32 $0x40;
	v1 =	vld [tilespmem:s16+$0x200]  }
.LBB2_2:
0x32: {  	_ = 	snop  }
0x33: {  	p0 =	sne.s32 s17, $0x3C0  }
.Ltmp0:
0x34: {  	_ = 	snop;
	(pc) =	sbr.rel @p0 .LBB2_2-.Ltmp0, $4  }
0x35: {  	v2 =	vmov v0  }
0x36: {  	s18 =	sshra.s32 s17, $0x2;
	vm0 =	vlt.s32 v2, v1  }
0x37: {  	v0 =	vld [tilespmem:s18+$0x0];
	v2 =	vsel vm0, v2, v1  }
0x38: {  	s17 =	sadd.s32 $0x40, s17;
	v1 =	vld [tilespmem:s18+$0x200];
	[tilespmem:s16+$0x300] =	vst v2;
	s16 =	smov.u32 s18  }
0x39: {  	_ =	sdelay $0x3  }
0x3a: {  	s15 =	sadd.s32 $0x1, s15;
	vm0 =	vlt.s32 v0, v1  }
0x3b: {  	p0 =	sne.s32 s15, s6;
	v0 =	vsel vm0, v0, v1  }
.Ltmp1:
0x3c: {  	[tilespmem:s16+$0x300] =	vst v0;
	(pc) =	sbr.rel @p0 .LBB2_1-.Ltmp1, $4  }
0x3d: {  	[hbm4b:s5+s3] =	stream.linear.scatter [tilespmem:s14], [sflag:$0x2], $0x100, $0x38;
	[tilespmem:$0x400] =	vst v63  }
0x3e: {  	_ =	swait.ge [sflag:s7], $0x100  }
0x3f: {  	[sflag:s7] =	ssyncset.done $0x0  }
0x40: {  	[sflag:s7] =	ssyncadd.s32 $0xFFFFFF00  }
0x41: {  	_ =	sfence.sel $0x180000  }
0x42: {  	[bflag:$0x0] =	sbarrier.arrive $0xFFFF  }
0x43: {  	p0 =	sne.s32 s2, $0x0;
	_ =	strace $0x9000004D  }
0x44: {  	s0 =	sadd.s32 @!p0 $0x100000, s0;
	[bflag:$0x2] =	sbarrier.arrive $0xFFFF  }
0x45: {  	[sflag:s0] =	ssyncadd.tile.s32 @!p0 $0x1;
	_ =	shalt  }
.Lfunc_end2:
_tile_overlayer_lowered:
.L_overlay_start_2:
0x46: {  	(tag) =	ssettag $0x2  }
0x47: {  	s0 =	rddreg [dreg:$0x0];
	s2 =	stileid.u32  }
0x48: {  	s1 =	rddreg [dreg:$0x1];
	p0 =	sne.s32 s2, $0x0  }
0x49: {  	s3 =	rddreg [dreg:$0x2];
	[bflag:$0x3] =	sbarrier.arrive $0xFFFF;
	s2 =	simm.s32 @!p0 $0x1C02  }
0x4a: {  	[timem:s3], [sflag:s2] =	dma.local @!p0 [hbm:s0], s1  }
0x4b: {  	s0 =	simm.s32 @!p0 $0x2  }
0x4c: {  	_ =	swait.ge @!p0 [sflag:s0], s1  }
0x4d: {  	s1 =	ssub.s32 @!p0 $0x0, s1;
	[sflag:s0] =	ssyncset.done @!p0 $0x0  }
0x4e: {  	[sflag:s0] =	ssyncadd.s32 @!p0 s1  }
0x4f: {  	[bflag:$0x3] =	sbarrier.arrive $0xFFFF  }
0x50: {  	_ =	shalt  }

// kernel: kernel.10.cloned.1.call-start
scs
__scs_entry_jumppad:
0x0: {  	(pc) =	sbr.rel $0x88, $3  }
0x1: {  	(tag) =	ssettag $0x0;
	lr =	simm.s32 $0x1  }
0x2: {  	[smem:$0x3FA0] =	sst lr;
	_ =	strace $0xD0000000  }
0x3: {  	_ = 	snop  }
0x4: {  	_ = 	snop  }
0x5: {  	_ = 	snop  }
0x6: {  	_ = 	snop  }
0x7: {  	_ = 	snop  }
__scs_overlays_trampoline_lowered:
0x8: {  	[smem:$0x3FAF] =	sst s0  }
0x9: {  	[smem:$0x3FB0] =	sst s1  }
0xa: {  	[smem:$0x3FB1] =	sst s2  }
0xb: {  	[smem:$0x3FB2] =	sst s3  }
0xc: {  	[smem:$0x3FB3] =	sst s4  }
0xd: {  	[smem:$0x3FB4] =	sst s5  }
0xe: {  	[smem:$0x3FB5] =	sst s6  }
0xf: {  	[smem:$0x3FB6] =	sst s7  }
0x10: {  	[smem:$0x3FB7] =	sst s8  }
0x11: {  	[smem:$0x3FB8] =	sst s9;
	s0 =	simm.s32 @!p0 $0x0  }
0x12: {  	s1 =	sld [smem:$0x3F9E];
	s0 =	simm.s32 @p0 $0x1  }
0x13: {  	[smem:$0x3FB9] =	sst s0;
	s0 =	simm.s32 @!p1 $0x0  }
0x14: {  	s2 =	sld [smem:$0x3F9D];
	s0 =	simm.s32 @p1 $0x1  }
0x15: {  	[smem:$0x3FBA] =	sst s0;
	s0 =	simm.s32 @!p2 $0x0  }
0x16: {  	s3 =	sld [smem:$0x3FDB];
	s0 =	simm.s32 @p2 $0x1  }
0x17: {  	s4 =	simm.s32 $0x1BF5;
	[smem:$0x3FBC] =	sst s0  }
0x18: {  	s0 =	sld [smem:$0x3F9F];
	_ =	swait.ge [sflag:s4], $0x0  }
0x19: {  	s7 =	sld [smem:$0x3FA0]  }
0x1a: {  	s8 =	sadd.s32 $0xFFFFE003, lr  }
0x1b: {  	s9 =	sadd.s32 $0xFFFFFEF7, lr;
	s5 =	simm.s32 $0xFFFFFFFF;
	p2 =	slt.u32 s8, $0xFFFFF086  }
0x1c: {  	p1 =	slt.u32 s9, $0xF7A;
	s5 =	simm.s32 @!p2 $0x0  }
0x1d: {  	s5 =	simm.s32 @p1 $0x1;
	p0 =	seq.s32 s7, s2  }
0x1e: {  	s7 =	smul.u32 @!p0 $0xF7A, s2;
	p2 =	seq.s32 @!p0 s5, $0x0  }
0x1f: {  	s9 =	smul.u32 $0xF7A, s1;
	s8 =	simm.s32 @!p0 $0x1BF5;
	p2 =	por !p2, p0  }
0x20: {  	[sflag:s8] =	ssyncset.s32 @!p0 $0xFFFFF086;
	s6 =	sadd.s32 @!p0 s3, s7;
	s7 =	simm.s32 @!p0 $0x108  }
0x21: {  	s3 =	sadd.s32 s3, s9;
	s6 =	sadd.s32 @!p0 $0x88, s6;
	s7 =	simm.s32 @p2 $0x1082  }
0x22: {  	[simem:s7], [sflag:s8] =	dma.local @!p0 [hbm:s6], $0xF7A  }
0x23: {  	s9 =	sor.u32 $0xD0000000, s2;
	s6 =	simm.s32 $0x108;
	_ =	swait.ge @!p0 [sflag:s8], $0x0  }
0x24: {  	s3 =	sadd.s32 $0x88, s3;
	s6 =	simm.s32 @!p1 $0x1082;
	[sflag:s4] =	ssyncset.s32 $0xFFFFF086  }
0x25: {  	[simem:s6], [sflag:s4] =	dma.local [hbm:s3], $0xF7A  }
0x26: {  	[smem:$0x3FA0] =	sst s1;
	(tag) =	ssettag s2;
	_ =	strace s9  }
0x27: {  	s1 =	sld [smem:$0x3FB0]  }
0x28: {  	s2 =	sld [smem:$0x3FB1]  }
0x29: {  	s4 =	sld [smem:$0x3FB3]  }
0x2a: {  	p0 =	seq.s32 s5, $0x0;
	s5 =	sld [smem:$0x3FB4]  }
0x2b: {  	s6 =	sld [smem:$0x3FB5]  }
0x2c: {  	s7 =	sld [smem:$0x3FB6]  }
0x2d: {  	s3 =	simm.s32 $0x108;
	s8 =	sld [smem:$0x3FB7]  }
0x2e: {  	s3 =	simm.s32 @!p0 $0x1082;
	s9 =	sld [smem:$0x3FB8]  }
0x2f: {  	lr =	sadd.s32 s0, s3;
	s0 =	sld [smem:$0x3FAF]  }
0x30: {  	s3 =	sld [smem:$0x3FB2]  }
0x31: {  	[smem:$0x3FBB] =	sst s10  }
0x32: {  	s10 =	sld [smem:$0x3FB9];
	_ =	sdelay $0x3  }
0x33: {  	p0 =	seq.s32 s10, $0x1;
	s10 =	sld [smem:$0x3FBB];
	_ =	sdelay $0x3  }
0x34: {  	[smem:$0x3FBB] =	sst s10  }
0x35: {  	s10 =	sld [smem:$0x3FBA];
	_ =	sdelay $0x3  }
0x36: {  	p1 =	seq.s32 s10, $0x1;
	s10 =	sld [smem:$0x3FBB];
	_ =	sdelay $0x3  }
0x37: {  	[smem:$0x3FBB] =	sst s10  }
0x38: {  	s10 =	sld [smem:$0x3FBC]  }
0x39: {  	_ = 	snop;
	(pc) =	sbr.ind lr, $3  }
0x3a: {  	_ = 	snop  }
0x3b: {  	_ = 	snop  }
0x3c: {  	p2 =	seq.s32 s10, $0x1;
	s10 =	sld [smem:$0x3FBB]  }
0x3d: {  	_ =	shalt  }
0x3e: {  	_ =	shalt  }
0x3f: {  	_ =	shalt  }
0x40: {  	_ =	shalt  }
0x41: {  	_ =	shalt  }
0x42: {  	_ =	shalt  }
0x43: {  	_ =	shalt  }
0x44: {  	_ =	shalt  }
0x45: {  	_ =	shalt  }
0x46: {  	_ =	shalt  }
0x47: {  	_ =	shalt  }
0x48: {  	_ =	shalt  }
0x49: {  	_ =	shalt  }
0x4a: {  	_ =	shalt  }
0x4b: {  	_ =	shalt  }
0x4c: {  	_ =	shalt  }
0x4d: {  	_ =	shalt  }
0x4e: {  	_ =	shalt  }
0x4f: {  	_ =	shalt  }
0x50: {  	_ =	shalt  }
0x51: {  	_ =	shalt  }
0x52: {  	_ =	shalt  }
0x53: {  	_ =	shalt  }
0x54: {  	_ =	shalt  }
0x55: {  	_ =	shalt  }
0x56: {  	_ =	shalt  }
0x57: {  	_ =	shalt  }
0x58: {  	_ =	shalt  }
0x59: {  	_ =	shalt  }
0x5a: {  	_ =	shalt  }
0x5b: {  	_ =	shalt  }
0x5c: {  	_ =	shalt  }
0x5d: {  	_ =	shalt  }
0x5e: {  	_ =	shalt  }
0x5f: {  	_ =	shalt  }
0x60: {  	_ =	shalt  }
0x61: {  	_ =	shalt  }
0x62: {  	_ =	shalt  }
0x63: {  	_ =	shalt  }
0x64: {  	_ =	shalt  }
0x65: {  	_ =	shalt  }
0x66: {  	_ =	shalt  }
0x67: {  	_ =	shalt  }
0x68: {  	_ =	shalt  }
0x69: {  	_ =	shalt  }
0x6a: {  	_ =	shalt  }
0x6b: {  	_ =	shalt  }
0x6c: {  	_ =	shalt  }
0x6d: {  	_ =	shalt  }
0x6e: {  	_ =	shalt  }
0x6f: {  	_ =	shalt  }
0x70: {  	_ =	shalt  }
0x71: {  	_ =	shalt  }
0x72: {  	_ =	shalt  }
0x73: {  	_ =	shalt  }
0x74: {  	_ =	shalt  }
0x75: {  	_ =	shalt  }
0x76: {  	_ =	shalt  }
0x77: {  	_ =	shalt  }
0x78: {  	_ =	shalt  }
0x79: {  	_ =	shalt  }
0x7a: {  	_ =	shalt  }
0x7b: {  	_ =	shalt  }
0x7c: {  	_ =	shalt  }
0x7d: {  	_ =	shalt  }
0x7e: {  	_ =	shalt  }
0x7f: {  	_ =	shalt  }
0x80: {  	_ =	shalt  }
0x81: {  	_ =	shalt  }
0x82: {  	_ =	shalt  }
0x83: {  	_ =	shalt  }
0x84: {  	_ =	shalt  }
0x85: {  	_ =	shalt  }
0x86: {  	_ =	shalt  }
0x87: {  	_ =	shalt  }
.Lfunc_end0:
.L_simem_size_0:
called_computation.2_lowered:
.L_overlay_start_0:
0x88: {  	s2 =	sld [smem:$0x3FD9]  }
0x89: {  	s3 =	sld [smem:$0x3FFE];
	_ =	sdelay $0x1  }
0x8a: {  	s1 =	srdreg.scid  }
0x8b: {  	s0 =	sand.u32 $0x1, s1  }
0x8c: {  	s17 =	sshll.u32 s0, $0xA;
	s2 =	sadd.s32 s3, s2  }
0x8d: {  	s2 =	sadd.s32 s2, s17  }
0x8e: {  	[smem:$0x3FC7] =	sst s2  }
0x8f: {  	_ = 	snop  }
0x90: {  	s2 =	sld [smem:$0x3FD0];
	(tm) =	ssettm $0x1  }
0x91: {  	s18 =	sld [smem:$0x3FFB];
	_ =	sdelay $0x3  }
0x92: {  	_ =	strace s18  }
0x93: {  	s3 =	sld [smem:$0x3FFC];
	_ =	sdelay $0x3  }
0x94: {  	_ =	strace s3  }
0x95: {  	s3 =	sld [smem:$0x3FFD];
	_ =	sdelay $0x3  }
0x96: {  	_ =	strace s3  }
0x97: {  	_ =	strace $0x8FFFFFFF  }
0x98: {  	s19 =	sld [smem:$0x3FDB];
	_ =	sdelay $0x1  }
0x99: {  	s4 =	simm.s32 $_scs_section_size  }
0x9a: {  	s5 =	simm.s32 $_size__tile_overlayer_lowered;
	s6 =	simm.s32 $_tile_overlayer_lowered  }
0x9b: {  	s22 =	simm.s32 $0x1BFF;
	s21 =	sshll.u32 s6, $0x1;
	s3 =	sadd.s32 s4, s19  }
0x9c: {  	s7 =	simm.s32 $0x0;
	s20 =	sshll.u32 s5, $0x1;
	s5 =	sadd.s32 s21, s3  }
0x9d: {  	[timem:s7], [sflag:s22] =	dma.local [hbm:s5], s20  }
0x9e: {  	_ =	swait.ge [sflag:s22], s20  }
0x9f: {  	s4 =	ssub.s32 $0x0, s20;
	[sflag:s22] =	ssyncset.done $0x0  }
0xa0: {  	[sflag:s22] =	ssyncadd.s32 s4;
	_ =	sdelay $0x1  }
0xa1: {  	s23 =	simm.s32 $0x1B8B  }
0xa2: {  	_ =	swait.ge [sflag:s23], $0x1  }
0xa3: {  	[sflag:s23] =	ssyncset.done $0x0  }
0xa4: {  	s25 =	simm.s32 $0x1B8E;
	s24 =	sld [smem:$0x3FFE];
	[sflag:s23] =	ssyncadd.s32 $0xFFFFFFFF  }
0xa5: {  	s26 =	simm.s32 $execute0_lowered;
	[smem:$0x3FD2] =	sst s25  }
0xa6: {  	s5 =	sshll.u32 s26, $0x1;
	_ =	strace $0x80000049;
	[dreg:$0x1] =	wrdreg $0xFFFFFFFF  }
0xa7: {  	s28 =	simm.s32 $_size_execute0_lowered;
	s3 =	sadd.s32 s3, s5;
	[dreg:$0x0] =	wrdreg $0x0  }
0xa8: {  	s5 =	sshll.u32 s28, $0x1;
	[dreg:$0x2] =	wrdreg s3  }
0xa9: {  	[dreg:$0x3] =	wrdreg s5  }
0xaa: {  	[dreg:$0x4] =	wrdreg $0xC0  }
0xab: {  	_ =	task [dreg:s7], $0x5FFFF  }
0xac: {  	[dreg:$0x1] =	wrdreg $0xFFFFFFFF  }
0xad: {  	[dreg:$0x0] =	wrdreg $0x60  }
0xae: {  	[dreg:$0x2] =	wrdreg s24  }
0xaf: {  	[dreg:$0x3] =	wrdreg s2  }
0xb0: {  	[dreg:$0x4] =	wrdreg $0x9  }
0xb1: {  	_ =	task.clear_ibuf [dreg:s7], $0x5FFFF;
	_ =	strace $0x90000049  }
0xb2: {  	s29 =	simm.s32 $0x9;
	_ =	strace $0x8000004B  }
0xb3: {  	_ =	swait.ge [sflag:s29], $0x1  }
0xb4: {  	[sflag:s29] =	ssyncadd.s32 $0xFFFFFFFF  }
0xb5: {  	_ =	strace $0x9000004B  }
0xb6: {  	_ =	sfence  }
0xb7: {  	s30 =	sld [smem:$0x0];
	_ =	sdelay $0x2  }
0xb8: {  	s31 =	sshll.u32 s1, $0xD;
	s1 =	sshrl.u32 s1, $0x2  }
0xb9: {  	s3 =	sand.u32 $0x4000, s31;
	s1 =	sadd.s32 s1, s30  }
0xba: {  	s0 =	sor.u32 s3, s0;
	s1 =	sshll.u32 s1, $0x11  }
0xbb: {  	s0 =	sor.u32 s1, s0  }
0xbc: {  	s0 =	sadd.s32 $0x8F2B, s0  }
0xbd: {  	[sflag:s0] =	ssyncadd.remote.s32 $0x1  }
0xbe: {  	_ =	sfence.sel $0xFFFF  }
0xbf: {  	[dreg:$0x0] =	wrdreg $0xFFFFFFFF;
	(pc) =	sbr.abs _section_cstart, $3  }
0xc0: {  	[dreg:$0x1] =	wrdreg $0xFFFFFFFF  }
0xc1: {  	_ =	task.clear_ibuf [dreg:s7], $0x2FFFF;
	_ =	strace $0x9FFFFFFF  }
0xc2: {  	(tm) =	ssettm $0x7FFFFFFF  }
0xc3: {  	_ =	shalt  }
tec
execute0_lowered:
.L_overlay_start_1:
0x0: {  	(tag) =	ssettag $0x1  }
0x1: {  	s4 =	rddreg [dreg:$0x0]  }
0x2: {  	s6 =	rddreg [dreg:$0x1]  }
0x3: {  	s0 =	rddreg [dreg:$0x2];
	s3 =	srdreg.scid  }
0x4: {  	s2 =	simm.s32 $0x0;
	s1 =	stileid.u32;
	s10 =	simm.s32 $0x80  }
0x5: {  	s11 =	simm.s32 $0x200;
	s12 =	simm.s32 $0x300;
	s13 =	simm.s32 $0x280  }
0x6: {  	s14 =	simm.s32 $0x380;
	s15 =	simm.s32 $0x1;
	s16 =	simm.s32 $0x400  }
0x7: {  	s17 =	simm.s32 $0x0;
	s3 =	sand.u32 $0x1, s3;
	[smem:$0x7FF] =	sst s2  }
0x8: {  	s5 =	sshll.u32 s1, $0x6;
	s7 =	sshll.u32 s3, $0x5;
	s30 =	ssub.s32 $0x2, s3  }
0x9: {  	_ =	strace $0x8000004A;
	s7 =	sor.u32 s7, s5;
	s31 =	sshrl.u32 s30, $0x1  }
0xa: {  	s3 =	sadd.s32 $0x1800, s4;
	s8 =	sadd.s32 s7, s4;
	s9 =	ssub.s32 s30, s31  }
0xb: {  	s6 =	sadd.s32 s6, s7;
	s4 =	sadd.s32 $0x201C00, s8;
	s5 =	sadd.s32 $0x201800, s8  }
0xc: {  	s7 =	smax.u32 s9, $0x1;
	s8 =	simm.s32 $0x2;
	s9 =	simm.s32 $0x100  }
.LBB2_1:
0xd: {  	[tilespmem:s2], [sflag:$0x2] =	stream.linear.gather [hbm4b:s4+s2], $0x100, $0x38;
	[tilespmem:$0x500] =	vst v63  }
0xe: {  	_ =	swait.ge [sflag:s8], $0x100  }
0xf: {  	[sflag:s8] =	ssyncset.done $0x0  }
0x10: {  	[sflag:s8] =	ssyncadd.s32 $0xFFFFFF00  }
0x11: {  	[tilespmem:s9], [sflag:$0x2] =	stream.linear.gather [hbm4b:s5+s2], $0x100, $0x38;
	[tilespmem:$0x500] =	vst v63  }
0x12: {  	_ =	swait.ge [sflag:s8], $0x100  }
0x13: {  	[sflag:s8] =	ssyncset.done $0x0  }
0x14: {  	[sflag:s8] =	ssyncadd.s32 $0xFFFFFF00  }
0x15: {  	v0 =	vld [tilespmem:$0x0]  }
0x16: {  	v1 =	vld [tilespmem:$0x10]  }
0x17: {  	v2 =	vld [tilespmem:$0x20]  }
0x18: {  	v3 =	vld [tilespmem:$0x30]  }
0x19: {  	v4 =	vld [tilespmem:$0x40]  }
0x1a: {  	v5 =	vld [tilespmem:$0x50];
	vm0 =	vlt.s32 v0, $0x1FFF  }
0x1b: {  	v6 =	vld [tilespmem:$0x60];
	vm13 =	vlt.s32 v1, $0x1FFF;
	v0 =	vnsel vm0, $0x1FFF, v0  }
0x1c: {  	vm14 =	vlt.s32 v2, $0x1FFF;
	[tilespmem:$0x200] =	vst v0;
	v0 =	vnsel vm13, $0x1FFF, v1;
	v1 =	vld [tilespmem:$0x70]  }
0x1d: {  	vm15 =	vlt.s32 v3, $0x1FFF;
	[tilespmem:$0x210] =	vst v0;
	v0 =	vnsel vm14, $0x1FFF, v2;
	v2 =	vld [tilespmem:$0x80]  }
0x1e: {  	vm4 =	vlt.s32 v4, $0x1FFF;
	[tilespmem:$0x220] =	vst v0;
	v0 =	vnsel vm15, $0x1FFF, v3;
	v3 =	vld [tilespmem:$0x90]  }
0x1f: {  	v61 =	vld [tilespmem:$0xA0];
	vm5 =	vlt.s32 v5, $0x1FFF;
	[tilespmem:$0x230] =	vst v0;
	v0 =	vnsel vm4, $0x1FFF, v4  }
0x20: {  	v62 =	vld [tilespmem:$0xB0];
	vm6 =	vlt.s32 v6, $0x1FFF;
	[tilespmem:$0x240] =	vst v0;
	v0 =	vnsel vm5, $0x1FFF, v5  }
0x21: {  	v63 =	vld [tilespmem:$0xC0];
	[tilespmem:$0x250] =	vst v0;
	v0 =	vnsel vm6, $0x1FFF, v6;
	vm7 =	vlt.s32 v1, $0x1FFF  }
0x22: {  	[tilespmem:$0x260] =	vst v0;
	v0 =	vnsel vm7, $0x1FFF, v1;
	vm8 =	vlt.s32 v2, $0x1FFF;
	v1 =	vld [tilespmem:$0xD0]  }
0x23: {  	[tilespmem:$0x270] =	vst v0;
	v0 =	vnsel vm8, $0x1FFF, v2;
	vm9 =	vlt.s32 v3, $0x1FFF;
	v2 =	vld [tilespmem:$0xE0]  }
0x24: {  	vm10 =	vlt.s32 v61, $0x1FFF;
	[tilespmem:$0x280] =	vst v0;
	v0 =	vnsel vm9, $0x1FFF, v3;
	v3 =	vld [tilespmem:$0xF0]  }
0x25: {  	vm11 =	vlt.s32 v62, $0x1FFF;
	[tilespmem:$0x290] =	vst v0;
	v0 =	vnsel vm10, $0x1FFF, v61  }
0x26: {  	vm12 =	vlt.s32 v63, $0x1FFF;
	[tilespmem:$0x2A0] =	vst v0;
	v0 =	vnsel vm11, $0x1FFF, v62  }
0x27: {  	[tilespmem:$0x2B0] =	vst v0;
	v0 =	vnsel vm12, $0x1FFF, v63;
	vm13 =	vlt.s32 v1, $0x1FFF  }
0x28: {  	[tilespmem:$0x2C0] =	vst v0;
	v0 =	vnsel vm13, $0x1FFF, v1;
	vm14 =	vlt.s32 v2, $0x1FFF  }
0x29: {  	[tilespmem:$0x2D0] =	vst v0;
	v0 =	vnsel vm14, $0x1FFF, v2;
	vm15 =	vlt.s32 v3, $0x1FFF  }
0x2a: {  	[tilespmem:$0x2E0] =	vst v0;
	v0 =	vnsel vm15, $0x1FFF, v3  }
0x2b: {  	[tilespmem:$0x2F0] =	vst v0  }
0x2c: {  	[tilespmem:s12], [sflag:$0x1] =	stream.indirect.gather [hbm4b:s3+s10], $0x1, s11, s10, $0xb8;
	[tilespmem:$0x500] =	vst v63  }
0x2d: {  	_ = 	snop  }
0x2e: {  	[tilespmem:s14], [sflag:$0x1] =	stream.indirect.gather [hbm4b:s3+s10], $0x1, s13, s10, $0xb8;
	[tilespmem:$0x500] =	vst v63  }
0x2f: {  	_ =	swait.ge [sflag:s15], $0x80  }
0x30: {  	[sflag:s15] =	ssyncset.done $0x0  }
0x31: {  	[sflag:s15] =	ssyncadd.s32 $0xFFFFFF80  }
0x32: {  	_ =	swait.ge [sflag:s15], $0x80  }
0x33: {  	[sflag:s15] =	ssyncset.done $0x0  }
0x34: {  	s18 =	simm.s32 $0x0;
	[sflag:s15] =	ssyncadd.s32 $0xFFFFFF80  }
0x35: {  	v0 =	vld [tilespmem:s18+$0x100]  }
0x36: {  	s19 =	simm.s32 $0x40;
	v1 =	vld [tilespmem:s18+$0x300]  }
.LBB2_2:
0x37: {  	p0 =	sne.s32 s19, $0x3C0  }
.Ltmp0:
0x38: {  	_ = 	snop;
	(pc) =	sbr.rel @p0 .LBB2_2-.Ltmp0, $4  }
0x39: {  	_ = 	snop  }
0x3a: {  	s20 =	sshra.s32 s19, $0x2;
	s19 =	sadd.s32 $0x40, s19;
	vm0 =	vlt.s32 v0, $0x2000  }
0x3b: {  	v0 =	vld [tilespmem:s20+$0x100];
	v2 =	vnsel vm0, $0xFFFFFFFF, v1  }
0x3c: {  	v1 =	vld [tilespmem:s20+$0x300];
	[tilespmem:s18+$0x400] =	vst v2;
	s18 =	smov.u32 s20  }
0x3d: {  	_ =	sdelay $0x2  }
0x3e: {  	s17 =	sadd.s32 $0x1, s17;
	vm0 =	vlt.s32 v0, $0x2000  }
0x3f: {  	p0 =	sne.s32 s17, s7;
	v0 =	vnsel vm0, $0xFFFFFFFF, v1  }
.Ltmp1:
0x40: {  	[tilespmem:s18+$0x400] =	vst v0;
	(pc) =	sbr.rel @p0 .LBB2_1-.Ltmp1, $4  }
0x41: {  	[hbm4b:s6+s2] =	stream.linear.scatter [tilespmem:s16], [sflag:$0x2], $0x100, $0x38;
	[tilespmem:$0x500] =	vst v63  }
0x42: {  	_ =	swait.ge [sflag:s8], $0x100  }
0x43: {  	[sflag:s8] =	ssyncset.done $0x0  }
0x44: {  	[sflag:s8] =	ssyncadd.s32 $0xFFFFFF00  }
0x45: {  	_ =	sfence.sel $0x180000  }
0x46: {  	[bflag:$0x0] =	sbarrier.arrive $0xFFFF  }
0x47: {  	p0 =	sne.s32 s1, $0x0;
	_ =	strace $0x9000004A  }
0x48: {  	s0 =	sadd.s32 @!p0 $0x100000, s0;
	[bflag:$0x2] =	sbarrier.arrive $0xFFFF  }
0x49: {  	[sflag:s0] =	ssyncadd.tile.s32 @!p0 $0x1;
	_ =	shalt  }
.Lfunc_end2:
_tile_overlayer_lowered:
.L_overlay_start_2:
0x4a: {  	(tag) =	ssettag $0x2  }
0x4b: {  	s0 =	rddreg [dreg:$0x0];
	s2 =	stileid.u32  }
0x4c: {  	s1 =	rddreg [dreg:$0x1];
	p0 =	sne.s32 s2, $0x0  }
0x4d: {  	s3 =	rddreg [dreg:$0x2];
	[bflag:$0x3] =	sbarrier.arrive $0xFFFF;
	s2 =	simm.s32 @!p0 $0x1C02  }
0x4e: {  	[timem:s3], [sflag:s2] =	dma.local @!p0 [hbm:s0], s1  }
0x4f: {  	s0 =	simm.s32 @!p0 $0x2  }
0x50: {  	_ =	swait.ge @!p0 [sflag:s0], s1  }
0x51: {  	s1 =	ssub.s32 @!p0 $0x0, s1;
	[sflag:s0] =	ssyncset.done @!p0 $0x0  }
0x52: {  	[sflag:s0] =	ssyncadd.s32 @!p0 s1  }
0x53: {  	[bflag:$0x3] =	sbarrier.arrive $0xFFFF  }
0x54: {  	_ =	shalt  }

// kernel: kernel.7.cloned.1.call-start
scs
__scs_entry_jumppad:
0x0: {  	(pc) =	sbr.rel $0x88, $3  }
0x1: {  	(tag) =	ssettag $0x0;
	lr =	simm.s32 $0x1  }
0x2: {  	[smem:$0x3FA0] =	sst lr;
	_ =	strace $0xD0000000  }
0x3: {  	_ = 	snop  }
0x4: {  	_ = 	snop  }
0x5: {  	_ = 	snop  }
0x6: {  	_ = 	snop  }
0x7: {  	_ = 	snop  }
__scs_overlays_trampoline_lowered:
0x8: {  	[smem:$0x3FAF] =	sst s0  }
0x9: {  	[smem:$0x3FB0] =	sst s1  }
0xa: {  	[smem:$0x3FB1] =	sst s2  }
0xb: {  	[smem:$0x3FB2] =	sst s3  }
0xc: {  	[smem:$0x3FB3] =	sst s4  }
0xd: {  	[smem:$0x3FB4] =	sst s5  }
0xe: {  	[smem:$0x3FB5] =	sst s6  }
0xf: {  	[smem:$0x3FB6] =	sst s7  }
0x10: {  	[smem:$0x3FB7] =	sst s8  }
0x11: {  	[smem:$0x3FB8] =	sst s9;
	s0 =	simm.s32 @!p0 $0x0  }
0x12: {  	s1 =	sld [smem:$0x3F9E];
	s0 =	simm.s32 @p0 $0x1  }
0x13: {  	[smem:$0x3FB9] =	sst s0;
	s0 =	simm.s32 @!p1 $0x0  }
0x14: {  	s2 =	sld [smem:$0x3F9D];
	s0 =	simm.s32 @p1 $0x1  }
0x15: {  	[smem:$0x3FBA] =	sst s0;
	s0 =	simm.s32 @!p2 $0x0  }
0x16: {  	s3 =	sld [smem:$0x3FDB];
	s0 =	simm.s32 @p2 $0x1  }
0x17: {  	s4 =	simm.s32 $0x1BF5;
	[smem:$0x3FBC] =	sst s0  }
0x18: {  	s0 =	sld [smem:$0x3F9F];
	_ =	swait.ge [sflag:s4], $0x0  }
0x19: {  	s7 =	sld [smem:$0x3FA0]  }
0x1a: {  	s8 =	sadd.s32 $0xFFFFE003, lr  }
0x1b: {  	s9 =	sadd.s32 $0xFFFFFEF7, lr;
	s5 =	simm.s32 $0xFFFFFFFF;
	p2 =	slt.u32 s8, $0xFFFFF086  }
0x1c: {  	p1 =	slt.u32 s9, $0xF7A;
	s5 =	simm.s32 @!p2 $0x0  }
0x1d: {  	s5 =	simm.s32 @p1 $0x1;
	p0 =	seq.s32 s7, s2  }
0x1e: {  	s7 =	smul.u32 @!p0 $0xF7A, s2;
	p2 =	seq.s32 @!p0 s5, $0x0  }
0x1f: {  	s9 =	smul.u32 $0xF7A, s1;
	s8 =	simm.s32 @!p0 $0x1BF5;
	p2 =	por !p2, p0  }
0x20: {  	[sflag:s8] =	ssyncset.s32 @!p0 $0xFFFFF086;
	s6 =	sadd.s32 @!p0 s3, s7;
	s7 =	simm.s32 @!p0 $0x108  }
0x21: {  	s3 =	sadd.s32 s3, s9;
	s6 =	sadd.s32 @!p0 $0x88, s6;
	s7 =	simm.s32 @p2 $0x1082  }
0x22: {  	[simem:s7], [sflag:s8] =	dma.local @!p0 [hbm:s6], $0xF7A  }
0x23: {  	s9 =	sor.u32 $0xD0000000, s2;
	s6 =	simm.s32 $0x108;
	_ =	swait.ge @!p0 [sflag:s8], $0x0  }
0x24: {  	s3 =	sadd.s32 $0x88, s3;
	s6 =	simm.s32 @!p1 $0x1082;
	[sflag:s4] =	ssyncset.s32 $0xFFFFF086  }
0x25: {  	[simem:s6], [sflag:s4] =	dma.local [hbm:s3], $0xF7A  }
0x26: {  	[smem:$0x3FA0] =	sst s1;
	(tag) =	ssettag s2;
	_ =	strace s9  }
0x27: {  	s1 =	sld [smem:$0x3FB0]  }
0x28: {  	s2 =	sld [smem:$0x3FB1]  }
0x29: {  	s4 =	sld [smem:$0x3FB3]  }
0x2a: {  	p0 =	seq.s32 s5, $0x0;
	s5 =	sld [smem:$0x3FB4]  }
0x2b: {  	s6 =	sld [smem:$0x3FB5]  }
0x2c: {  	s7 =	sld [smem:$0x3FB6]  }
0x2d: {  	s3 =	simm.s32 $0x108;
	s8 =	sld [smem:$0x3FB7]  }
0x2e: {  	s3 =	simm.s32 @!p0 $0x1082;
	s9 =	sld [smem:$0x3FB8]  }
0x2f: {  	lr =	sadd.s32 s0, s3;
	s0 =	sld [smem:$0x3FAF]  }
0x30: {  	s3 =	sld [smem:$0x3FB2]  }
0x31: {  	[smem:$0x3FBB] =	sst s10  }
0x32: {  	s10 =	sld [smem:$0x3FB9];
	_ =	sdelay $0x3  }
0x33: {  	p0 =	seq.s32 s10, $0x1;
	s10 =	sld [smem:$0x3FBB];
	_ =	sdelay $0x3  }
0x34: {  	[smem:$0x3FBB] =	sst s10  }
0x35: {  	s10 =	sld [smem:$0x3FBA];
	_ =	sdelay $0x3  }
0x36: {  	p1 =	seq.s32 s10, $0x1;
	s10 =	sld [smem:$0x3FBB];
	_ =	sdelay $0x3  }
0x37: {  	[smem:$0x3FBB] =	sst s10  }
0x38: {  	s10 =	sld [smem:$0x3FBC]  }
0x39: {  	_ = 	snop;
	(pc) =	sbr.ind lr, $3  }
0x3a: {  	_ = 	snop  }
0x3b: {  	_ = 	snop  }
0x3c: {  	p2 =	seq.s32 s10, $0x1;
	s10 =	sld [smem:$0x3FBB]  }
0x3d: {  	_ =	shalt  }
0x3e: {  	_ =	shalt  }
0x3f: {  	_ =	shalt  }
0x40: {  	_ =	shalt  }
0x41: {  	_ =	shalt  }
0x42: {  	_ =	shalt  }
0x43: {  	_ =	shalt  }
0x44: {  	_ =	shalt  }
0x45: {  	_ =	shalt  }
0x46: {  	_ =	shalt  }
0x47: {  	_ =	shalt  }
0x48: {  	_ =	shalt  }
0x49: {  	_ =	shalt  }
0x4a: {  	_ =	shalt  }
0x4b: {  	_ =	shalt  }
0x4c: {  	_ =	shalt  }
0x4d: {  	_ =	shalt  }
0x4e: {  	_ =	shalt  }
0x4f: {  	_ =	shalt  }
0x50: {  	_ =	shalt  }
0x51: {  	_ =	shalt  }
0x52: {  	_ =	shalt  }
0x53: {  	_ =	shalt  }
0x54: {  	_ =	shalt  }
0x55: {  	_ =	shalt  }
0x56: {  	_ =	shalt  }
0x57: {  	_ =	shalt  }
0x58: {  	_ =	shalt  }
0x59: {  	_ =	shalt  }
0x5a: {  	_ =	shalt  }
0x5b: {  	_ =	shalt  }
0x5c: {  	_ =	shalt  }
0x5d: {  	_ =	shalt  }
0x5e: {  	_ =	shalt  }
0x5f: {  	_ =	shalt  }
0x60: {  	_ =	shalt  }
0x61: {  	_ =	shalt  }
0x62: {  	_ =	shalt  }
0x63: {  	_ =	shalt  }
0x64: {  	_ =	shalt  }
0x65: {  	_ =	shalt  }
0x66: {  	_ =	shalt  }
0x67: {  	_ =	shalt  }
0x68: {  	_ =	shalt  }
0x69: {  	_ =	shalt  }
0x6a: {  	_ =	shalt  }
0x6b: {  	_ =	shalt  }
0x6c: {  	_ =	shalt  }
0x6d: {  	_ =	shalt  }
0x6e: {  	_ =	shalt  }
0x6f: {  	_ =	shalt  }
0x70: {  	_ =	shalt  }
0x71: {  	_ =	shalt  }
0x72: {  	_ =	shalt  }
0x73: {  	_ =	shalt  }
0x74: {  	_ =	shalt  }
0x75: {  	_ =	shalt  }
0x76: {  	_ =	shalt  }
0x77: {  	_ =	shalt  }
0x78: {  	_ =	shalt  }
0x79: {  	_ =	shalt  }
0x7a: {  	_ =	shalt  }
0x7b: {  	_ =	shalt  }
0x7c: {  	_ =	shalt  }
0x7d: {  	_ =	shalt  }
0x7e: {  	_ =	shalt  }
0x7f: {  	_ =	shalt  }
0x80: {  	_ =	shalt  }
0x81: {  	_ =	shalt  }
0x82: {  	_ =	shalt  }
0x83: {  	_ =	shalt  }
0x84: {  	_ =	shalt  }
0x85: {  	_ =	shalt  }
0x86: {  	_ =	shalt  }
0x87: {  	_ =	shalt  }
.Lfunc_end0:
.L_simem_size_0:
called_computation.1_lowered:
.L_overlay_start_0:
0x88: {  	s2 =	sld [smem:$0x3FD9]  }
0x89: {  	s3 =	sld [smem:$0x3FFE];
	_ =	sdelay $0x1  }
0x8a: {  	s1 =	srdreg.scid  }
0x8b: {  	s0 =	sand.u32 $0x1, s1  }
0x8c: {  	s16 =	sshll.u32 s0, $0xA;
	s2 =	sadd.s32 s3, s2  }
0x8d: {  	s2 =	sadd.s32 s2, s16  }
0x8e: {  	[smem:$0x3FC7] =	sst s2  }
0x8f: {  	_ = 	snop  }
0x90: {  	(tm) =	ssettm $0x1  }
0x91: {  	s17 =	sld [smem:$0x3FFB];
	_ =	sdelay $0x3  }
0x92: {  	_ =	strace s17  }
0x93: {  	s2 =	sld [smem:$0x3FFC];
	_ =	sdelay $0x3  }
0x94: {  	_ =	strace s2  }
0x95: {  	s2 =	sld [smem:$0x3FFD];
	_ =	sdelay $0x3  }
0x96: {  	_ =	strace s2  }
0x97: {  	_ =	strace $0x8FFFFFFF  }
0x98: {  	s18 =	sld [smem:$0x3FDB];
	_ =	sdelay $0x1  }
0x99: {  	s19 =	simm.s32 $_scs_section_size  }
0x9a: {  	s4 =	simm.s32 $_size__tile_overlayer_lowered;
	s5 =	simm.s32 $_tile_overlayer_lowered  }
0x9b: {  	s22 =	simm.s32 $0x1BFF;
	s21 =	sshll.u32 s5, $0x1;
	s2 =	sadd.s32 s19, s18  }
0x9c: {  	s6 =	simm.s32 $0x0;
	s20 =	sshll.u32 s4, $0x1;
	s4 =	sadd.s32 s21, s2  }
0x9d: {  	[timem:s6], [sflag:s22] =	dma.local [hbm:s4], s20  }
0x9e: {  	_ =	swait.ge [sflag:s22], s20  }
0x9f: {  	s3 =	ssub.s32 $0x0, s20;
	[sflag:s22] =	ssyncset.done $0x0  }
0xa0: {  	[sflag:s22] =	ssyncadd.s32 s3;
	_ =	sdelay $0x1  }
0xa1: {  	s23 =	simm.s32 $0x1B8B  }
0xa2: {  	_ =	swait.ge [sflag:s23], $0x1  }
0xa3: {  	[sflag:s23] =	ssyncset.done $0x0  }
0xa4: {  	s25 =	simm.s32 $0x1B8E;
	s24 =	sld [smem:$0x3FFE];
	[sflag:s23] =	ssyncadd.s32 $0xFFFFFFFF  }
0xa5: {  	s26 =	simm.s32 $execute0_lowered;
	[smem:$0x3FD2] =	sst s25  }
0xa6: {  	s4 =	sshll.u32 s26, $0x1;
	_ =	strace $0x80000046;
	[dreg:$0x1] =	wrdreg $0xFFFFFFFF  }
0xa7: {  	s28 =	simm.s32 $_size_execute0_lowered;
	s2 =	sadd.s32 s2, s4;
	[dreg:$0x0] =	wrdreg $0x0  }
0xa8: {  	s4 =	sshll.u32 s28, $0x1;
	[dreg:$0x2] =	wrdreg s2  }
0xa9: {  	[dreg:$0x3] =	wrdreg s4  }
0xaa: {  	[dreg:$0x4] =	wrdreg $0xC0  }
0xab: {  	_ =	task [dreg:s6], $0x5FFFF  }
0xac: {  	[dreg:$0x1] =	wrdreg $0xFFFFFFFF  }
0xad: {  	[dreg:$0x0] =	wrdreg $0x60  }
0xae: {  	[dreg:$0x2] =	wrdreg s24  }
0xaf: {  	[dreg:$0x3] =	wrdreg $0x9  }
0xb0: {  	_ =	task.clear_ibuf [dreg:s6], $0x4FFFF;
	_ =	strace $0x90000046  }
0xb1: {  	s29 =	simm.s32 $0x9;
	_ =	strace $0x80000048  }
0xb2: {  	_ =	swait.ge [sflag:s29], $0x1  }
0xb3: {  	[sflag:s29] =	ssyncadd.s32 $0xFFFFFFFF  }
0xb4: {  	_ =	strace $0x90000048  }
0xb5: {  	_ =	sfence  }
0xb6: {  	s30 =	sld [smem:$0x0];
	_ =	sdelay $0x2  }
0xb7: {  	s31 =	sshll.u32 s1, $0xD;
	s1 =	sshrl.u32 s1, $0x2  }
0xb8: {  	s3 =	sand.u32 $0x4000, s31;
	s1 =	sadd.s32 s1, s30  }
0xb9: {  	s0 =	sor.u32 s3, s0;
	s1 =	sshll.u32 s1, $0x11  }
0xba: {  	s0 =	sor.u32 s1, s0  }
0xbb: {  	s0 =	sadd.s32 $0x8F2B, s0  }
0xbc: {  	[sflag:s0] =	ssyncadd.remote.s32 $0x1  }
0xbd: {  	_ =	sfence.sel $0xFFFF  }
0xbe: {  	[dreg:$0x0] =	wrdreg $0xFFFFFFFF;
	(pc) =	sbr.abs _section_cstart, $3  }
0xbf: {  	[dreg:$0x1] =	wrdreg $0xFFFFFFFF  }
0xc0: {  	_ =	task.clear_ibuf [dreg:s6], $0x2FFFF;
	_ =	strace $0x9FFFFFFF  }
0xc1: {  	(tm) =	ssettm $0x7FFFFFFF  }
tec
execute0_lowered:
.L_overlay_start_1:
0x0: {  	(tag) =	ssettag $0x1  }
0x1: {  	s4 =	rddreg [dreg:$0x0]  }
0x2: {  	s0 =	rddreg [dreg:$0x1];
	s2 =	simm.s32 $0x0;
	s3 =	srdreg.scid  }
0x3: {  	s1 =	stileid.u32;
	s9 =	simm.s32 $0x100;
	s10 =	simm.s32 $0x200  }
0x4: {  	s11 =	simm.s32 $0x180;
	s12 =	simm.s32 $0x280;
	s13 =	simm.s32 $0x1  }
0x5: {  	s14 =	simm.s32 $0x300;
	s15 =	simm.s32 $0x0;
	s3 =	sand.u32 $0x1, s3  }
0x6: {  	[smem:$0x7FF] =	sst s2;
	s5 =	sshll.u32 s1, $0x6;
	s6 =	sshll.u32 s3, $0x5  }
0x7: {  	s7 =	ssub.s32 $0x2, s3;
	_ =	strace $0x80000047;
	s5 =	sor.u32 s6, s5  }
0x8: {  	s3 =	sadd.s32 $0x201800, s4;
	s31 =	sshrl.u32 s7, $0x1;
	s8 =	sadd.s32 s5, s4  }
0x9: {  	s6 =	ssub.s32 s7, s31;
	s4 =	sadd.s32 s3, s5;
	s7 =	simm.s32 $0x2  }
0xa: {  	s5 =	sadd.s32 $0x201C00, s8;
	s6 =	smax.u32 s6, $0x1;
	s8 =	simm.s32 $0x80  }
.LBB2_1:
0xb: {  	[tilespmem:s2], [sflag:$0x2] =	stream.linear.gather [hbm4b:s4+s2], $0x100, $0x38;
	[tilespmem:$0x400] =	vst v63  }
0xc: {  	_ =	swait.ge [sflag:s7], $0x100  }
0xd: {  	[sflag:s7] =	ssyncset.done $0x0  }
0xe: {  	[sflag:s7] =	ssyncadd.s32 $0xFFFFFF00  }
0xf: {  	v0 =	vld [tilespmem:$0x0]  }
0x10: {  	v1 =	vld [tilespmem:$0x10]  }
0x11: {  	v2 =	vld [tilespmem:$0x20]  }
0x12: {  	v3 =	vld [tilespmem:$0x30]  }
0x13: {  	v4 =	vld [tilespmem:$0x40]  }
0x14: {  	v5 =	vld [tilespmem:$0x50];
	vm0 =	vlt.s32 v0, $0x1FFF  }
0x15: {  	v6 =	vld [tilespmem:$0x60];
	vm13 =	vlt.s32 v1, $0x1FFF;
	v0 =	vnsel vm0, $0x1FFF, v0  }
0x16: {  	vm14 =	vlt.s32 v2, $0x1FFF;
	[tilespmem:$0x100] =	vst v0;
	v0 =	vnsel vm13, $0x1FFF, v1;
	v1 =	vld [tilespmem:$0x70]  }
0x17: {  	vm15 =	vlt.s32 v3, $0x1FFF;
	[tilespmem:$0x110] =	vst v0;
	v0 =	vnsel vm14, $0x1FFF, v2;
	v2 =	vld [tilespmem:$0x80]  }
0x18: {  	vm4 =	vlt.s32 v4, $0x1FFF;
	[tilespmem:$0x120] =	vst v0;
	v0 =	vnsel vm15, $0x1FFF, v3;
	v3 =	vld [tilespmem:$0x90]  }
0x19: {  	v61 =	vld [tilespmem:$0xA0];
	vm5 =	vlt.s32 v5, $0x1FFF;
	[tilespmem:$0x130] =	vst v0;
	v0 =	vnsel vm4, $0x1FFF, v4  }
0x1a: {  	v62 =	vld [tilespmem:$0xB0];
	vm6 =	vlt.s32 v6, $0x1FFF;
	[tilespmem:$0x140] =	vst v0;
	v0 =	vnsel vm5, $0x1FFF, v5  }
0x1b: {  	v63 =	vld [tilespmem:$0xC0];
	[tilespmem:$0x150] =	vst v0;
	v0 =	vnsel vm6, $0x1FFF, v6;
	vm7 =	vlt.s32 v1, $0x1FFF  }
0x1c: {  	[tilespmem:$0x160] =	vst v0;
	v0 =	vnsel vm7, $0x1FFF, v1;
	vm8 =	vlt.s32 v2, $0x1FFF;
	v1 =	vld [tilespmem:$0xD0]  }
0x1d: {  	[tilespmem:$0x170] =	vst v0;
	v0 =	vnsel vm8, $0x1FFF, v2;
	vm9 =	vlt.s32 v3, $0x1FFF;
	v2 =	vld [tilespmem:$0xE0]  }
0x1e: {  	vm10 =	vlt.s32 v61, $0x1FFF;
	[tilespmem:$0x180] =	vst v0;
	v0 =	vnsel vm9, $0x1FFF, v3;
	v3 =	vld [tilespmem:$0xF0]  }
0x1f: {  	vm11 =	vlt.s32 v62, $0x1FFF;
	[tilespmem:$0x190] =	vst v0;
	v0 =	vnsel vm10, $0x1FFF, v61  }
0x20: {  	vm12 =	vlt.s32 v63, $0x1FFF;
	[tilespmem:$0x1A0] =	vst v0;
	v0 =	vnsel vm11, $0x1FFF, v62  }
0x21: {  	[tilespmem:$0x1B0] =	vst v0;
	v0 =	vnsel vm12, $0x1FFF, v63;
	vm13 =	vlt.s32 v1, $0x1FFF  }
0x22: {  	[tilespmem:$0x1C0] =	vst v0;
	v0 =	vnsel vm13, $0x1FFF, v1;
	vm14 =	vlt.s32 v2, $0x1FFF  }
0x23: {  	[tilespmem:$0x1D0] =	vst v0;
	v0 =	vnsel vm14, $0x1FFF, v2;
	vm15 =	vlt.s32 v3, $0x1FFF  }
0x24: {  	[tilespmem:$0x1E0] =	vst v0;
	v0 =	vnsel vm15, $0x1FFF, v3  }
0x25: {  	[tilespmem:$0x1F0] =	vst v0  }
0x26: {  	[tilespmem:s10], [sflag:$0x1] =	stream.indirect.gather [hbm4b:s3+s8], $0x1, s9, s8, $0xb8;
	[tilespmem:$0x400] =	vst v63  }
0x27: {  	_ = 	snop  }
0x28: {  	[tilespmem:s12], [sflag:$0x1] =	stream.indirect.gather [hbm4b:s3+s8], $0x1, s11, s8, $0xb8;
	[tilespmem:$0x400] =	vst v63  }
0x29: {  	_ =	swait.ge [sflag:s13], $0x80  }
0x2a: {  	[sflag:s13] =	ssyncset.done $0x0  }
0x2b: {  	[sflag:s13] =	ssyncadd.s32 $0xFFFFFF80  }
0x2c: {  	_ =	swait.ge [sflag:s13], $0x80  }
0x2d: {  	[sflag:s13] =	ssyncset.done $0x0  }
0x2e: {  	s16 =	simm.s32 $0x0;
	[sflag:s13] =	ssyncadd.s32 $0xFFFFFF80  }
0x2f: {  	v0 =	vld [tilespmem:s16+$0x0]  }
0x30: {  	s17 =	simm.s32 $0x40;
	v1 =	vld [tilespmem:s16+$0x200]  }
.LBB2_2:
0x31: {  	_ = 	snop  }
0x32: {  	p0 =	sne.s32 s17, $0x3C0  }
.Ltmp0:
0x33: {  	_ = 	snop;
	(pc) =	sbr.rel @p0 .LBB2_2-.Ltmp0, $4  }
0x34: {  	v2 =	vmov v0  }
0x35: {  	s18 =	sshra.s32 s17, $0x2;
	vm0 =	vlt.s32 v2, v1  }
0x36: {  	v0 =	vld [tilespmem:s18+$0x0];
	v2 =	vsel vm0, v2, v1  }
0x37: {  	s17 =	sadd.s32 $0x40, s17;
	v1 =	vld [tilespmem:s18+$0x200];
	[tilespmem:s16+$0x300] =	vst v2;
	s16 =	smov.u32 s18  }
0x38: {  	_ =	sdelay $0x3  }
0x39: {  	s15 =	sadd.s32 $0x1, s15;
	vm0 =	vlt.s32 v0, v1  }
0x3a: {  	p0 =	sne.s32 s15, s6;
	v0 =	vsel vm0, v0, v1  }
.Ltmp1:
0x3b: {  	[tilespmem:s16+$0x300] =	vst v0;
	(pc) =	sbr.rel @p0 .LBB2_1-.Ltmp1, $4  }
0x3c: {  	[hbm4b:s5+s2] =	stream.linear.scatter [tilespmem:s14], [sflag:$0x2], $0x100, $0x38;
	[tilespmem:$0x400] =	vst v63  }
0x3d: {  	_ =	swait.ge [sflag:s7], $0x100  }
0x3e: {  	[sflag:s7] =	ssyncset.done $0x0  }
0x3f: {  	[sflag:s7] =	ssyncadd.s32 $0xFFFFFF00  }
0x40: {  	_ =	sfence.sel $0x180000  }
0x41: {  	[bflag:$0x0] =	sbarrier.arrive $0xFFFF  }
0x42: {  	p0 =	sne.s32 s1, $0x0;
	_ =	strace $0x90000047  }
0x43: {  	s0 =	sadd.s32 @!p0 $0x100000, s0;
	[bflag:$0x2] =	sbarrier.arrive $0xFFFF  }
0x44: {  	[sflag:s0] =	ssyncadd.tile.s32 @!p0 $0x1;
	_ =	shalt  }
.Lfunc_end2:
_tile_overlayer_lowered:
.L_overlay_start_2:
0x45: {  	(tag) =	ssettag $0x2  }
0x46: {  	s0 =	rddreg [dreg:$0x0];
	s2 =	stileid.u32  }
0x47: {  	s1 =	rddreg [dreg:$0x1];
	p0 =	sne.s32 s2, $0x0  }
0x48: {  	s3 =	rddreg [dreg:$0x2];
	[bflag:$0x3] =	sbarrier.arrive $0xFFFF;
	s2 =	simm.s32 @!p0 $0x1C02  }
0x49: {  	[timem:s3], [sflag:s2] =	dma.local @!p0 [hbm:s0], s1  }
0x4a: {  	s0 =	simm.s32 @!p0 $0x2  }
0x4b: {  	_ =	swait.ge @!p0 [sflag:s0], s1  }
0x4c: {  	s1 =	ssub.s32 @!p0 $0x0, s1;
	[sflag:s0] =	ssyncset.done @!p0 $0x0  }
0x4d: {  	[sflag:s0] =	ssyncadd.s32 @!p0 s1  }
0x4e: {  	[bflag:$0x3] =	sbarrier.arrive $0xFFFF  }
0x4f: {  	_ =	shalt  }

</sc_bundles>
